<compile_context>
chip_gen: v7x
topology: tpu7x:2x2x1
jax: 0.10.2.dev20260603
libtpu: 0.0.44.dev20260713+nightly
codegen_flags: <defaults>
</compile_context>

<pallas_src>
import functools

import jax
import jax.numpy as jnp
from jax import lax
from jax.experimental import pallas as pl
from jax.experimental.pallas import tpu as pltpu
from jax.experimental.pallas import tpu_sc as plsc

NUM_CORES = 2
NUM_SUBCORES = 16
NUM_WORKERS = NUM_CORES * NUM_SUBCORES

CHUNK = 128


def _sc_gather(tab128, idx_t, *, n_tok, seq, dim, row_w):
    toks_per_w = n_tok // NUM_WORKERS
    j_per_s = toks_per_w // CHUNK
    n_chunks = seq * j_per_s
    n_body = n_chunks // 2 - 1

    mesh = plsc.VectorSubcoreMesh(core_axis_name="c", subcore_axis_name="s")

    @functools.partial(
        pl.kernel,
        mesh=mesh,
        out_type=jax.ShapeDtypeStruct((n_tok, seq, row_w), jnp.float32),
        compiler_params=pltpu.CompilerParams(use_tc_tiling_on_sc=True,
                                             needs_layout_passes=False),
        scratch_types=[
            pltpu.VMEM((seq, toks_per_w), jnp.int32),
            pltpu.VMEM((CHUNK, 1, row_w), jnp.float32),
            pltpu.VMEM((CHUNK, 1, row_w), jnp.float32),
            pltpu.VMEM((CHUNK, 1, row_w), jnp.float32),
            pltpu.VMEM((CHUNK, 1, row_w), jnp.float32),
            pltpu.SemaphoreType.DMA,
            pltpu.SemaphoreType.DMA,
            pltpu.SemaphoreType.DMA,
            pltpu.SemaphoreType.DMA,
            pltpu.SemaphoreType.DMA,
            pltpu.SemaphoreType.DMA,
            pltpu.SemaphoreType.DMA,
            pltpu.SemaphoreType.DMA,
        ],
    )
    def k(tab_hbm, idx_hbm, out_hbm, idx_v, buf_a, buf_b, buf_c, buf_d,
          gsem_a, gsem_b, gsem_c, gsem_d, ssem_a, ssem_b, ssem_c, ssem_d):
        wid = lax.axis_index("s") * NUM_CORES + lax.axis_index("c")
        tok_base = wid * toks_per_w

        pltpu.sync_copy(idx_hbm.at[:, pl.ds(tok_base, toks_per_w)], idx_v)

        def fire_gather(buf, gsem, c):
            s = c // j_per_s
            j = lax.rem(c, j_per_s)
            pltpu.async_copy(
                tab_hbm.at[idx_v.at[s, pl.ds(j * CHUNK, CHUNK)]],
                buf.at[:, 0, :], gsem)

        def wait_gather(buf, gsem):
            pltpu.make_async_copy(tab_hbm.at[pl.ds(0, CHUNK)],
                                  buf.at[:, 0, :], gsem).wait()

        def store_pair(buf, c):
            s = c // j_per_s
            j = lax.rem(c, j_per_s)
            src = buf
            dst = out_hbm.at[pl.ds(tok_base + j * CHUNK, CHUNK),
                             pl.ds(s, 1), :]
            return src, dst

        def fire_store(buf, ssem, c):
            src, dst = store_pair(buf, c)
            pltpu.async_copy(src, dst, ssem)

        def wait_store(buf, ssem, c):
            src, dst = store_pair(buf, c)
            pltpu.make_async_copy(src, dst, ssem).wait()

        ring = [(buf_a, gsem_a, ssem_a), (buf_b, gsem_b, ssem_b),
                (buf_c, gsem_c, ssem_c), (buf_d, gsem_d, ssem_d)]
        nbuf = len(ring)
        for b, (buf, gsem, _) in enumerate(ring):
            fire_gather(buf, gsem, b)

        def body(t, _):
            c0 = nbuf * t
            for b, (buf, gsem, ssem) in enumerate(ring):
                c = c0 + b
                wait_gather(buf, gsem)
                fire_store(buf, ssem, c)
                wait_store(buf, ssem, c)
                fire_gather(buf, gsem, c + nbuf)
            return _

        lax.fori_loop(0, n_chunks // nbuf - 1, body, 0)

        c0 = n_chunks - nbuf
        for b, (buf, gsem, ssem) in enumerate(ring):
            c = c0 + b
            wait_gather(buf, gsem)
            fire_store(buf, ssem, c)
            wait_store(buf, ssem, c)

    return k(tab128, idx_t)


def kernel(token_ids, embeddings):
    n_tok, seq = token_ids.shape
    n_emb, dim = embeddings.shape
    row_w = 2 * dim
    tab128 = jnp.pad(embeddings, ((0, 0), (0, row_w - dim)))
    idx_t = token_ids.astype(jnp.int32).T
    out = _sc_gather(tab128, idx_t, n_tok=n_tok, seq=seq, dim=dim,
                     row_w=row_w)
    return out[:, :, :dim]

# --- scband reference (transcript-rebuilt; emitter-appended) ---
"""Pipeline reference for scband-embedding-14671608283499 (READ-ONLY COPY).

The authoritative reference and input builder live on the scoring server;
editing this copy changes nothing except your own understanding.
"""

import jax, jax.numpy as jnp
import numpy as np

NUM_EMBEDDINGS = 1000000
EMBEDDING_DIM = 64

def setup_inputs(seed: int = 0) -> dict:
    key = jax.random.key(seed)
    k1, k2 = jax.random.split(key)
    token_ids = jax.random.randint(k1, (16384, 50), 0, NUM_EMBEDDINGS, dtype=jnp.int64 if jax.config.jax_enable_x64 else jnp.int32)
    # trunc_normal_(mean=0, std=1, a=-3, b=3) approximated via truncated normal
    embeddings = jax.random.truncated_normal(k2, -3.0, 3.0, (NUM_EMBEDDINGS, EMBEDDING_DIM), dtype=jnp.float32)
    return {"token_ids": token_ids, "embeddings": embeddings}

def reference(token_ids, embeddings):
    # Faithful translation of forward: self.embeddings[token_ids]
    return jnp.take(embeddings, token_ids, axis=0)

if __name__ == "__main__":
    import jax
    _d = setup_inputs()
    print(jax.jit(kernel)(*tuple(_d.values())))

</pallas_src>

<mosaic_0001>
#map = affine_map<(d0, d1) -> (0, 0)>
#map1 = affine_map<(d0, d1) -> (0, 0, 0)>
module attributes {stable_mosaic.version = 14 : i64} {
  func.func @k(%arg0: i32, %arg1: i32, %arg2: memref<1000000x128xf32, #tpu.memory_space<hbm>>, %arg3: memref<50x16384xi32, #tpu.memory_space<hbm>>, %arg4: memref<16384x50x128xf32, #tpu.memory_space<hbm>>, %arg5: memref<50x512xi32, #tpu.memory_space<vmem>>, %arg6: memref<128x1x128xf32, #tpu.memory_space<vmem>>, %arg7: memref<128x1x128xf32, #tpu.memory_space<vmem>>, %arg8: memref<128x1x128xf32, #tpu.memory_space<vmem>>, %arg9: memref<128x1x128xf32, #tpu.memory_space<vmem>>, %arg10: memref<!tpu.dma_semaphore, #tpu.memory_space<semaphore_mem>>, %arg11: memref<!tpu.dma_semaphore, #tpu.memory_space<semaphore_mem>>, %arg12: memref<!tpu.dma_semaphore, #tpu.memory_space<semaphore_mem>>, %arg13: memref<!tpu.dma_semaphore, #tpu.memory_space<semaphore_mem>>, %arg14: memref<!tpu.dma_semaphore, #tpu.memory_space<semaphore_mem>>, %arg15: memref<!tpu.dma_semaphore, #tpu.memory_space<semaphore_mem>>, %arg16: memref<!tpu.dma_semaphore, #tpu.memory_space<semaphore_mem>>, %arg17: memref<!tpu.dma_semaphore, #tpu.memory_space<semaphore_mem>>) attributes {dimension_semantics = [#tpu.dimension_semantics<core_parallel>, #tpu.dimension_semantics<subcore_parallel>], iteration_bounds = array<i64: 2, 16>, scalar_prefetch = 0 : i64, scratch_operands = 13 : i64, tpu.core_type = #tpu.core_type<sc_vector_subcore>, window_params = [{transform_indices = #map}, {transform_indices = #map}, {transform_indices = #map1}]} {
    %mul3A = arith.constant 2 : i32
    %mul3A_0 = arith.muli %arg1, %mul3A : i32
    %add3A = arith.addi %mul3A_0, %arg0 : i32
    %mul3A_1 = arith.constant 512 : i32
    %mul3A_2 = arith.muli %add3A, %mul3A_1 : i32
    "tpu.region"() ({
      %run_scoped3A = tpu.sem_alloc : memref<!tpu.dma_semaphore, #tpu.memory_space<semaphore_mem>>
      %dma_start3A_225 = arith.constant 0 : i32
      %dma_start3A_226 = tpu.memref_slice %arg3[%dma_start3A_225, %mul3A_2] : memref<50x16384xi32, #tpu.memory_space<hbm>> -> memref<50x512xi32, #tpu.memory_space<hbm>>
      %dma_start3A_227 = arith.constant 0 : i32
      %dma_start3A_228 = tpu.memref_slice %arg3[%dma_start3A_227, %mul3A_2] : memref<50x16384xi32, #tpu.memory_space<hbm>> -> memref<50x512xi32, #tpu.memory_space<hbm>>
      tpu.enqueue_dma source(%dma_start3A_228 : memref<50x512xi32, #tpu.memory_space<hbm>>) target(%arg5 : memref<50x512xi32, #tpu.memory_space<vmem>>) target_semaphore(%run_scoped3A : memref<!tpu.dma_semaphore, #tpu.memory_space<semaphore_mem>>)
      %dma_wait3A_229 = arith.constant 0 : i32
      %dma_wait3A_230 = tpu.memref_slice %arg3[%dma_wait3A_229, %mul3A_2] : memref<50x16384xi32, #tpu.memory_space<hbm>> -> memref<50x512xi32, #tpu.memory_space<hbm>>
      %dma_wait3A_231 = arith.constant 0 : i32
      %dma_wait3A_232 = tpu.memref_slice %arg3[%dma_wait3A_231, %mul3A_2] : memref<50x16384xi32, #tpu.memory_space<hbm>> -> memref<50x512xi32, #tpu.memory_space<hbm>>
      tpu.wait_dma2 semaphore(%run_scoped3A : memref<!tpu.dma_semaphore, #tpu.memory_space<semaphore_mem>>) src(%dma_wait3A_232 : memref<50x512xi32, #tpu.memory_space<hbm>>) dst(%arg5 : memref<50x512xi32, #tpu.memory_space<vmem>>)
      tpu.yield
    }) : () -> ()
    %rem3A = arith.constant 0 : i32
    %rem3A_3 = arith.constant 4 : i32
    %rem3A_4 = arith.remsi %rem3A, %rem3A_3 : i32
    %mul3A_5 = arith.constant 128 : i32
    %mul3A_6 = arith.muli %rem3A_4, %mul3A_5 : i32
    %dma_start3A = arith.constant 0 : i32
    %dma_start3A_7 = arith.constant 0 : i32
    %dma_start3A_8 = arith.constant 0 : i32
    %dma_start3A_9 = arith.constant 0 : i32
    %dma_start3A_10 = tpu.memref_slice %arg6[%dma_start3A_8, %dma_start3A_7, %dma_start3A_9] : memref<128x1x128xf32, #tpu.memory_space<vmem>> -> memref<128x1x128xf32, #tpu.memory_space<vmem>>
    %dma_start3A_11 = tpu.memref_squeeze %dma_start3A_10 : memref<128x1x128xf32, #tpu.memory_space<vmem>> -> memref<128x128xf32, #tpu.memory_space<vmem>>
    %dma_start3A_12 = tpu.memref_slice %arg5[%dma_start3A, %mul3A_6] : memref<50x512xi32, #tpu.memory_space<vmem>> -> memref<1x128xi32, #tpu.memory_space<vmem>>
    %dma_start3A_13 = tpu.memref_squeeze %dma_start3A_12 : memref<1x128xi32, #tpu.memory_space<vmem>> -> memref<128xi32, #tpu.memory_space<vmem>>
    %dma_start3A_14 = arith.constant 0 : i32
    %dma_start3A_15 = arith.constant 0 : i32
    %dma_start3A_16 = tpu.memref_slice %arg2[%dma_start3A_14, %dma_start3A_15] : memref<1000000x128xf32, #tpu.memory_space<hbm>> -> memref<1000000x128xf32, #tpu.memory_space<hbm>>
    tpu.enqueue_indirect_dma source(%dma_start3A_16 : memref<1000000x128xf32, #tpu.memory_space<hbm>>) target(%dma_start3A_11 : memref<128x128xf32, #tpu.memory_space<vmem>>) offsets(%dma_start3A_13 : memref<128xi32, #tpu.memory_space<vmem>>) semaphore(%arg10 : memref<!tpu.dma_semaphore, #tpu.memory_space<semaphore_mem>>)
    %rem3A_17 = arith.constant 1 : i32
    %rem3A_18 = arith.constant 4 : i32
    %rem3A_19 = arith.remsi %rem3A_17, %rem3A_18 : i32
    %mul3A_20 = arith.constant 128 : i32
    %mul3A_21 = arith.muli %rem3A_19, %mul3A_20 : i32
    %dma_start3A_22 = arith.constant 0 : i32
    %dma_start3A_23 = arith.constant 0 : i32
    %dma_start3A_24 = arith.constant 0 : i32
    %dma_start3A_25 = arith.constant 0 : i32
    %dma_start3A_26 = tpu.memref_slice %arg7[%dma_start3A_24, %dma_start3A_23, %dma_start3A_25] : memref<128x1x128xf32, #tpu.memory_space<vmem>> -> memref<128x1x128xf32, #tpu.memory_space<vmem>>
    %dma_start3A_27 = tpu.memref_squeeze %dma_start3A_26 : memref<128x1x128xf32, #tpu.memory_space<vmem>> -> memref<128x128xf32, #tpu.memory_space<vmem>>
    %dma_start3A_28 = tpu.memref_slice %arg5[%dma_start3A_22, %mul3A_21] : memref<50x512xi32, #tpu.memory_space<vmem>> -> memref<1x128xi32, #tpu.memory_space<vmem>>
    %dma_start3A_29 = tpu.memref_squeeze %dma_start3A_28 : memref<1x128xi32, #tpu.memory_space<vmem>> -> memref<128xi32, #tpu.memory_space<vmem>>
    %dma_start3A_30 = arith.constant 0 : i32
    %dma_start3A_31 = arith.constant 0 : i32
    %dma_start3A_32 = tpu.memref_slice %arg2[%dma_start3A_30, %dma_start3A_31] : memref<1000000x128xf32, #tpu.memory_space<hbm>> -> memref<1000000x128xf32, #tpu.memory_space<hbm>>
    tpu.enqueue_indirect_dma source(%dma_start3A_32 : memref<1000000x128xf32, #tpu.memory_space<hbm>>) target(%dma_start3A_27 : memref<128x128xf32, #tpu.memory_space<vmem>>) offsets(%dma_start3A_29 : memref<128xi32, #tpu.memory_space<vmem>>) semaphore(%arg11 : memref<!tpu.dma_semaphore, #tpu.memory_space<semaphore_mem>>)
    %rem3A_33 = arith.constant 2 : i32
    %rem3A_34 = arith.constant 4 : i32
    %rem3A_35 = arith.remsi %rem3A_33, %rem3A_34 : i32
    %mul3A_36 = arith.constant 128 : i32
    %mul3A_37 = arith.muli %rem3A_35, %mul3A_36 : i32
    %dma_start3A_38 = arith.constant 0 : i32
    %dma_start3A_39 = arith.constant 0 : i32
    %dma_start3A_40 = arith.constant 0 : i32
    %dma_start3A_41 = arith.constant 0 : i32
    %dma_start3A_42 = tpu.memref_slice %arg8[%dma_start3A_40, %dma_start3A_39, %dma_start3A_41] : memref<128x1x128xf32, #tpu.memory_space<vmem>> -> memref<128x1x128xf32, #tpu.memory_space<vmem>>
    %dma_start3A_43 = tpu.memref_squeeze %dma_start3A_42 : memref<128x1x128xf32, #tpu.memory_space<vmem>> -> memref<128x128xf32, #tpu.memory_space<vmem>>
    %dma_start3A_44 = tpu.memref_slice %arg5[%dma_start3A_38, %mul3A_37] : memref<50x512xi32, #tpu.memory_space<vmem>> -> memref<1x128xi32, #tpu.memory_space<vmem>>
    %dma_start3A_45 = tpu.memref_squeeze %dma_start3A_44 : memref<1x128xi32, #tpu.memory_space<vmem>> -> memref<128xi32, #tpu.memory_space<vmem>>
    %dma_start3A_46 = arith.constant 0 : i32
    %dma_start3A_47 = arith.constant 0 : i32
    %dma_start3A_48 = tpu.memref_slice %arg2[%dma_start3A_46, %dma_start3A_47] : memref<1000000x128xf32, #tpu.memory_space<hbm>> -> memref<1000000x128xf32, #tpu.memory_space<hbm>>
    tpu.enqueue_indirect_dma source(%dma_start3A_48 : memref<1000000x128xf32, #tpu.memory_space<hbm>>) target(%dma_start3A_43 : memref<128x128xf32, #tpu.memory_space<vmem>>) offsets(%dma_start3A_45 : memref<128xi32, #tpu.memory_space<vmem>>) semaphore(%arg12 : memref<!tpu.dma_semaphore, #tpu.memory_space<semaphore_mem>>)
    %rem3A_49 = arith.constant 3 : i32
    %rem3A_50 = arith.constant 4 : i32
    %rem3A_51 = arith.remsi %rem3A_49, %rem3A_50 : i32
    %mul3A_52 = arith.constant 128 : i32
    %mul3A_53 = arith.muli %rem3A_51, %mul3A_52 : i32
    %dma_start3A_54 = arith.constant 0 : i32
    %dma_start3A_55 = arith.constant 0 : i32
    %dma_start3A_56 = arith.constant 0 : i32
    %dma_start3A_57 = arith.constant 0 : i32
    %dma_start3A_58 = tpu.memref_slice %arg9[%dma_start3A_56, %dma_start3A_55, %dma_start3A_57] : memref<128x1x128xf32, #tpu.memory_space<vmem>> -> memref<128x1x128xf32, #tpu.memory_space<vmem>>
    %dma_start3A_59 = tpu.memref_squeeze %dma_start3A_58 : memref<128x1x128xf32, #tpu.memory_space<vmem>> -> memref<128x128xf32, #tpu.memory_space<vmem>>
    %dma_start3A_60 = tpu.memref_slice %arg5[%dma_start3A_54, %mul3A_53] : memref<50x512xi32, #tpu.memory_space<vmem>> -> memref<1x128xi32, #tpu.memory_space<vmem>>
    %dma_start3A_61 = tpu.memref_squeeze %dma_start3A_60 : memref<1x128xi32, #tpu.memory_space<vmem>> -> memref<128xi32, #tpu.memory_space<vmem>>
    %dma_start3A_62 = arith.constant 0 : i32
    %dma_start3A_63 = arith.constant 0 : i32
    %dma_start3A_64 = tpu.memref_slice %arg2[%dma_start3A_62, %dma_start3A_63] : memref<1000000x128xf32, #tpu.memory_space<hbm>> -> memref<1000000x128xf32, #tpu.memory_space<hbm>>
    tpu.enqueue_indirect_dma source(%dma_start3A_64 : memref<1000000x128xf32, #tpu.memory_space<hbm>>) target(%dma_start3A_59 : memref<128x128xf32, #tpu.memory_space<vmem>>) offsets(%dma_start3A_61 : memref<128xi32, #tpu.memory_space<vmem>>) semaphore(%arg13 : memref<!tpu.dma_semaphore, #tpu.memory_space<semaphore_mem>>)
    %scan3A = arith.constant 0 : i32
    %scan3A_65 = arith.constant 0 : i32
    %scan3A_66 = arith.constant 49 : i32
    %scan3A_67 = arith.addi %scan3A_65, %scan3A_66 : i32
    %scan3A_68 = arith.constant 1 : i32
    scf.for %scan3A_225 = %scan3A_65 to %scan3A_67 step %scan3A_68  : i32 {
      %mul3A_226 = arith.constant 4 : i32
      %mul3A_227 = arith.muli %mul3A_226, %scan3A_225 : i32
      %add3A_228 = arith.constant 0 : i32
      %add3A_229 = arith.addi %mul3A_227, %add3A_228 : i32
      %dma_wait3A_230 = arith.constant 0 : i32
      %dma_wait3A_231 = arith.constant 0 : i32
      %dma_wait3A_232 = arith.constant 0 : i32
      %dma_wait3A_233 = tpu.memref_slice %arg6[%dma_wait3A_231, %dma_wait3A_230, %dma_wait3A_232] : memref<128x1x128xf32, #tpu.memory_space<vmem>> -> memref<128x1x128xf32, #tpu.memory_space<vmem>>
      %dma_wait3A_234 = tpu.memref_squeeze %dma_wait3A_233 : memref<128x1x128xf32, #tpu.memory_space<vmem>> -> memref<128x128xf32, #tpu.memory_space<vmem>>
      %dma_wait3A_235 = arith.constant 0 : i32
      %dma_wait3A_236 = arith.constant 0 : i32
      %dma_wait3A_237 = tpu.memref_slice %arg2[%dma_wait3A_235, %dma_wait3A_236] : memref<1000000x128xf32, #tpu.memory_space<hbm>> -> memref<128x128xf32, #tpu.memory_space<hbm>>
      %dma_wait3A_238 = arith.constant 0 : i32
      %dma_wait3A_239 = arith.constant 0 : i32
      %dma_wait3A_240 = tpu.memref_slice %arg6[%dma_wait3A_238, %dma_wait3A_230, %dma_wait3A_239] : memref<128x1x128xf32, #tpu.memory_space<vmem>> -> memref<128x1x128xf32, #tpu.memory_space<vmem>>
      %dma_wait3A_241 = tpu.memref_squeeze %dma_wait3A_240 : memref<128x1x128xf32, #tpu.memory_space<vmem>> -> memref<128x128xf32, #tpu.memory_space<vmem>>
      %dma_wait3A_242 = arith.constant 0 : i32
      %dma_wait3A_243 = arith.constant 0 : i32
      %dma_wait3A_244 = tpu.memref_slice %arg2[%dma_wait3A_242, %dma_wait3A_243] : memref<1000000x128xf32, #tpu.memory_space<hbm>> -> memref<128x128xf32, #tpu.memory_space<hbm>>
      tpu.wait_dma2 semaphore(%arg10 : memref<!tpu.dma_semaphore, #tpu.memory_space<semaphore_mem>>) src(%dma_wait3A_244 : memref<128x128xf32, #tpu.memory_space<hbm>>) dst(%dma_wait3A_241 : memref<128x128xf32, #tpu.memory_space<vmem>>)
      %jit3A = arith.constant 4 : i32
      %div3A = arith.divsi %add3A_229, %jit3A : i32
      %sign3A = arith.constant 0 : i32
      %sign3A_245 = arith.cmpi sgt, %add3A_229, %sign3A : i32
      %sign3A_246 = arith.extui %sign3A_245 : i1 to i32
      %sign3A_247 = arith.constant 0 : i32
      %sign3A_248 = arith.cmpi slt, %add3A_229, %sign3A_247 : i32
      %sign3A_249 = arith.extui %sign3A_248 : i1 to i32
      %sign3A_250 = arith.subi %sign3A_246, %sign3A_249 : i32
      %sign3A_251 = arith.constant 0 : i32
      %sign3A_252 = arith.cmpi sgt, %jit3A, %sign3A_251 : i32
      %sign3A_253 = arith.extui %sign3A_252 : i1 to i32
      %sign3A_254 = arith.constant 0 : i32
      %sign3A_255 = arith.cmpi slt, %jit3A, %sign3A_254 : i32
      %sign3A_256 = arith.extui %sign3A_255 : i1 to i32
      %sign3A_257 = arith.subi %sign3A_253, %sign3A_256 : i32
      %ne3A = arith.cmpi ne, %sign3A_250, %sign3A_257 : i32
      %rem3A_258 = arith.remsi %add3A_229, %jit3A : i32
      %ne3A_259 = arith.constant 0 : i32
      %ne3A_260 = arith.cmpi ne, %rem3A_258, %ne3A_259 : i32
      %and3A = arith.andi %ne3A, %ne3A_260 : i1
      %sub3A = arith.constant 1 : i32
      %sub3A_261 = arith.subi %div3A, %sub3A : i32
      %select_n3A = arith.select %and3A, %sub3A_261, %div3A : i32
      %rem3A_262 = arith.constant 4 : i32
      %rem3A_263 = arith.remsi %add3A_229, %rem3A_262 : i32
      %mul3A_264 = arith.constant 128 : i32
      %mul3A_265 = arith.muli %rem3A_263, %mul3A_264 : i32
      %add3A_266 = arith.addi %mul3A_2, %mul3A_265 : i32
      %dma_start3A_267 = arith.constant 0 : i32
      %dma_start3A_268 = tpu.memref_slice %arg4[%add3A_266, %select_n3A, %dma_start3A_267] : memref<16384x50x128xf32, #tpu.memory_space<hbm>> -> memref<128x1x128xf32, #tpu.memory_space<hbm>>
      %dma_start3A_269 = arith.constant 0 : i32
      %dma_start3A_270 = tpu.memref_slice %arg4[%add3A_266, %select_n3A, %dma_start3A_269] : memref<16384x50x128xf32, #tpu.memory_space<hbm>> -> memref<128x1x128xf32, #tpu.memory_space<hbm>>
      tpu.enqueue_dma source(%arg6 : memref<128x1x128xf32, #tpu.memory_space<vmem>>) target(%dma_start3A_270 : memref<128x1x128xf32, #tpu.memory_space<hbm>>) target_semaphore(%arg14 : memref<!tpu.dma_semaphore, #tpu.memory_space<semaphore_mem>>)
      %jit3A_271 = arith.constant 4 : i32
      %div3A_272 = arith.divsi %add3A_229, %jit3A_271 : i32
      %sign3A_273 = arith.constant 0 : i32
      %sign3A_274 = arith.cmpi sgt, %add3A_229, %sign3A_273 : i32
      %sign3A_275 = arith.extui %sign3A_274 : i1 to i32
      %sign3A_276 = arith.constant 0 : i32
      %sign3A_277 = arith.cmpi slt, %add3A_229, %sign3A_276 : i32
      %sign3A_278 = arith.extui %sign3A_277 : i1 to i32
      %sign3A_279 = arith.subi %sign3A_275, %sign3A_278 : i32
      %sign3A_280 = arith.constant 0 : i32
      %sign3A_281 = arith.cmpi sgt, %jit3A_271, %sign3A_280 : i32
      %sign3A_282 = arith.extui %sign3A_281 : i1 to i32
      %sign3A_283 = arith.constant 0 : i32
      %sign3A_284 = arith.cmpi slt, %jit3A_271, %sign3A_283 : i32
      %sign3A_285 = arith.extui %sign3A_284 : i1 to i32
      %sign3A_286 = arith.subi %sign3A_282, %sign3A_285 : i32
      %ne3A_287 = arith.cmpi ne, %sign3A_279, %sign3A_286 : i32
      %rem3A_288 = arith.remsi %add3A_229, %jit3A_271 : i32
      %ne3A_289 = arith.constant 0 : i32
      %ne3A_290 = arith.cmpi ne, %rem3A_288, %ne3A_289 : i32
      %and3A_291 = arith.andi %ne3A_287, %ne3A_290 : i1
      %sub3A_292 = arith.constant 1 : i32
      %sub3A_293 = arith.subi %div3A_272, %sub3A_292 : i32
      %select_n3A_294 = arith.select %and3A_291, %sub3A_293, %div3A_272 : i32
      %rem3A_295 = arith.constant 4 : i32
      %rem3A_296 = arith.remsi %add3A_229, %rem3A_295 : i32
      %mul3A_297 = arith.constant 128 : i32
      %mul3A_298 = arith.muli %rem3A_296, %mul3A_297 : i32
      %add3A_299 = arith.addi %mul3A_2, %mul3A_298 : i32
      %dma_wait3A_300 = arith.constant 0 : i32
      %dma_wait3A_301 = tpu.memref_slice %arg4[%add3A_299, %select_n3A_294, %dma_wait3A_300] : memref<16384x50x128xf32, #tpu.memory_space<hbm>> -> memref<128x1x128xf32, #tpu.memory_space<hbm>>
      %dma_wait3A_302 = arith.constant 0 : i32
      %dma_wait3A_303 = tpu.memref_slice %arg4[%add3A_299, %select_n3A_294, %dma_wait3A_302] : memref<16384x50x128xf32, #tpu.memory_space<hbm>> -> memref<128x1x128xf32, #tpu.memory_space<hbm>>
      tpu.wait_dma2 semaphore(%arg14 : memref<!tpu.dma_semaphore, #tpu.memory_space<semaphore_mem>>) src(%arg6 : memref<128x1x128xf32, #tpu.memory_space<vmem>>) dst(%dma_wait3A_303 : memref<128x1x128xf32, #tpu.memory_space<hbm>>)
      %add3A_304 = arith.constant 4 : i32
      %add3A_305 = arith.addi %add3A_229, %add3A_304 : i32
      %jit3A_306 = arith.constant 4 : i32
      %div3A_307 = arith.divsi %add3A_305, %jit3A_306 : i32
      %sign3A_308 = arith.constant 0 : i32
      %sign3A_309 = arith.cmpi sgt, %add3A_305, %sign3A_308 : i32
      %sign3A_310 = arith.extui %sign3A_309 : i1 to i32
      %sign3A_311 = arith.constant 0 : i32
      %sign3A_312 = arith.cmpi slt, %add3A_305, %sign3A_311 : i32
      %sign3A_313 = arith.extui %sign3A_312 : i1 to i32
      %sign3A_314 = arith.subi %sign3A_310, %sign3A_313 : i32
      %sign3A_315 = arith.constant 0 : i32
      %sign3A_316 = arith.cmpi sgt, %jit3A_306, %sign3A_315 : i32
      %sign3A_317 = arith.extui %sign3A_316 : i1 to i32
      %sign3A_318 = arith.constant 0 : i32
      %sign3A_319 = arith.cmpi slt, %jit3A_306, %sign3A_318 : i32
      %sign3A_320 = arith.extui %sign3A_319 : i1 to i32
      %sign3A_321 = arith.subi %sign3A_317, %sign3A_320 : i32
      %ne3A_322 = arith.cmpi ne, %sign3A_314, %sign3A_321 : i32
      %rem3A_323 = arith.remsi %add3A_305, %jit3A_306 : i32
      %ne3A_324 = arith.constant 0 : i32
      %ne3A_325 = arith.cmpi ne, %rem3A_323, %ne3A_324 : i32
      %and3A_326 = arith.andi %ne3A_322, %ne3A_325 : i1
      %sub3A_327 = arith.constant 1 : i32
      %sub3A_328 = arith.subi %div3A_307, %sub3A_327 : i32
      %select_n3A_329 = arith.select %and3A_326, %sub3A_328, %div3A_307 : i32
      %rem3A_330 = arith.constant 4 : i32
      %rem3A_331 = arith.remsi %add3A_305, %rem3A_330 : i32
      %mul3A_332 = arith.constant 128 : i32
      %mul3A_333 = arith.muli %rem3A_331, %mul3A_332 : i32
      %dma_start3A_334 = arith.constant 0 : i32
      %dma_start3A_335 = arith.constant 0 : i32
      %dma_start3A_336 = arith.constant 0 : i32
      %dma_start3A_337 = tpu.memref_slice %arg6[%dma_start3A_335, %dma_start3A_334, %dma_start3A_336] : memref<128x1x128xf32, #tpu.memory_space<vmem>> -> memref<128x1x128xf32, #tpu.memory_space<vmem>>
      %dma_start3A_338 = tpu.memref_squeeze %dma_start3A_337 : memref<128x1x128xf32, #tpu.memory_space<vmem>> -> memref<128x128xf32, #tpu.memory_space<vmem>>
      %dma_start3A_339 = tpu.memref_slice %arg5[%select_n3A_329, %mul3A_333] : memref<50x512xi32, #tpu.memory_space<vmem>> -> memref<1x128xi32, #tpu.memory_space<vmem>>
      %dma_start3A_340 = tpu.memref_squeeze %dma_start3A_339 : memref<1x128xi32, #tpu.memory_space<vmem>> -> memref<128xi32, #tpu.memory_space<vmem>>
      %dma_start3A_341 = arith.constant 0 : i32
      %dma_start3A_342 = arith.constant 0 : i32
      %dma_start3A_343 = tpu.memref_slice %arg2[%dma_start3A_341, %dma_start3A_342] : memref<1000000x128xf32, #tpu.memory_space<hbm>> -> memref<1000000x128xf32, #tpu.memory_space<hbm>>
      tpu.enqueue_indirect_dma source(%dma_start3A_343 : memref<1000000x128xf32, #tpu.memory_space<hbm>>) target(%dma_start3A_338 : memref<128x128xf32, #tpu.memory_space<vmem>>) offsets(%dma_start3A_340 : memref<128xi32, #tpu.memory_space<vmem>>) semaphore(%arg10 : memref<!tpu.dma_semaphore, #tpu.memory_space<semaphore_mem>>)
      %add3A_344 = arith.constant 1 : i32
      %add3A_345 = arith.addi %mul3A_227, %add3A_344 : i32
      %dma_wait3A_346 = arith.constant 0 : i32
      %dma_wait3A_347 = arith.constant 0 : i32
      %dma_wait3A_348 = arith.constant 0 : i32
      %dma_wait3A_349 = tpu.memref_slice %arg7[%dma_wait3A_347, %dma_wait3A_346, %dma_wait3A_348] : memref<128x1x128xf32, #tpu.memory_space<vmem>> -> memref<128x1x128xf32, #tpu.memory_space<vmem>>
      %dma_wait3A_350 = tpu.memref_squeeze %dma_wait3A_349 : memref<128x1x128xf32, #tpu.memory_space<vmem>> -> memref<128x128xf32, #tpu.memory_space<vmem>>
      %dma_wait3A_351 = arith.constant 0 : i32
      %dma_wait3A_352 = arith.constant 0 : i32
      %dma_wait3A_353 = tpu.memref_slice %arg2[%dma_wait3A_351, %dma_wait3A_352] : memref<1000000x128xf32, #tpu.memory_space<hbm>> -> memref<128x128xf32, #tpu.memory_space<hbm>>
      %dma_wait3A_354 = arith.constant 0 : i32
      %dma_wait3A_355 = arith.constant 0 : i32
      %dma_wait3A_356 = tpu.memref_slice %arg7[%dma_wait3A_354, %dma_wait3A_346, %dma_wait3A_355] : memref<128x1x128xf32, #tpu.memory_space<vmem>> -> memref<128x1x128xf32, #tpu.memory_space<vmem>>
      %dma_wait3A_357 = tpu.memref_squeeze %dma_wait3A_356 : memref<128x1x128xf32, #tpu.memory_space<vmem>> -> memref<128x128xf32, #tpu.memory_space<vmem>>
      %dma_wait3A_358 = arith.constant 0 : i32
      %dma_wait3A_359 = arith.constant 0 : i32
      %dma_wait3A_360 = tpu.memref_slice %arg2[%dma_wait3A_358, %dma_wait3A_359] : memref<1000000x128xf32, #tpu.memory_space<hbm>> -> memref<128x128xf32, #tpu.memory_space<hbm>>
      tpu.wait_dma2 semaphore(%arg11 : memref<!tpu.dma_semaphore, #tpu.memory_space<semaphore_mem>>) src(%dma_wait3A_360 : memref<128x128xf32, #tpu.memory_space<hbm>>) dst(%dma_wait3A_357 : memref<128x128xf32, #tpu.memory_space<vmem>>)
      %jit3A_361 = arith.constant 4 : i32
      %div3A_362 = arith.divsi %add3A_345, %jit3A_361 : i32
      %sign3A_363 = arith.constant 0 : i32
      %sign3A_364 = arith.cmpi sgt, %add3A_345, %sign3A_363 : i32
      %sign3A_365 = arith.extui %sign3A_364 : i1 to i32
      %sign3A_366 = arith.constant 0 : i32
      %sign3A_367 = arith.cmpi slt, %add3A_345, %sign3A_366 : i32
      %sign3A_368 = arith.extui %sign3A_367 : i1 to i32
      %sign3A_369 = arith.subi %sign3A_365, %sign3A_368 : i32
      %sign3A_370 = arith.constant 0 : i32
      %sign3A_371 = arith.cmpi sgt, %jit3A_361, %sign3A_370 : i32
      %sign3A_372 = arith.extui %sign3A_371 : i1 to i32
      %sign3A_373 = arith.constant 0 : i32
      %sign3A_374 = arith.cmpi slt, %jit3A_361, %sign3A_373 : i32
      %sign3A_375 = arith.extui %sign3A_374 : i1 to i32
      %sign3A_376 = arith.subi %sign3A_372, %sign3A_375 : i32
      %ne3A_377 = arith.cmpi ne, %sign3A_369, %sign3A_376 : i32
      %rem3A_378 = arith.remsi %add3A_345, %jit3A_361 : i32
      %ne3A_379 = arith.constant 0 : i32
      %ne3A_380 = arith.cmpi ne, %rem3A_378, %ne3A_379 : i32
      %and3A_381 = arith.andi %ne3A_377, %ne3A_380 : i1
      %sub3A_382 = arith.constant 1 : i32
      %sub3A_383 = arith.subi %div3A_362, %sub3A_382 : i32
      %select_n3A_384 = arith.select %and3A_381, %sub3A_383, %div3A_362 : i32
      %rem3A_385 = arith.constant 4 : i32
      %rem3A_386 = arith.remsi %add3A_345, %rem3A_385 : i32
      %mul3A_387 = arith.constant 128 : i32
      %mul3A_388 = arith.muli %rem3A_386, %mul3A_387 : i32
      %add3A_389 = arith.addi %mul3A_2, %mul3A_388 : i32
      %dma_start3A_390 = arith.constant 0 : i32
      %dma_start3A_391 = tpu.memref_slice %arg4[%add3A_389, %select_n3A_384, %dma_start3A_390] : memref<16384x50x128xf32, #tpu.memory_space<hbm>> -> memref<128x1x128xf32, #tpu.memory_space<hbm>>
      %dma_start3A_392 = arith.constant 0 : i32
      %dma_start3A_393 = tpu.memref_slice %arg4[%add3A_389, %select_n3A_384, %dma_start3A_392] : memref<16384x50x128xf32, #tpu.memory_space<hbm>> -> memref<128x1x128xf32, #tpu.memory_space<hbm>>
      tpu.enqueue_dma source(%arg7 : memref<128x1x128xf32, #tpu.memory_space<vmem>>) target(%dma_start3A_393 : memref<128x1x128xf32, #tpu.memory_space<hbm>>) target_semaphore(%arg15 : memref<!tpu.dma_semaphore, #tpu.memory_space<semaphore_mem>>)
      %jit3A_394 = arith.constant 4 : i32
      %div3A_395 = arith.divsi %add3A_345, %jit3A_394 : i32
      %sign3A_396 = arith.constant 0 : i32
      %sign3A_397 = arith.cmpi sgt, %add3A_345, %sign3A_396 : i32
      %sign3A_398 = arith.extui %sign3A_397 : i1 to i32
      %sign3A_399 = arith.constant 0 : i32
      %sign3A_400 = arith.cmpi slt, %add3A_345, %sign3A_399 : i32
      %sign3A_401 = arith.extui %sign3A_400 : i1 to i32
      %sign3A_402 = arith.subi %sign3A_398, %sign3A_401 : i32
      %sign3A_403 = arith.constant 0 : i32
      %sign3A_404 = arith.cmpi sgt, %jit3A_394, %sign3A_403 : i32
      %sign3A_405 = arith.extui %sign3A_404 : i1 to i32
      %sign3A_406 = arith.constant 0 : i32
      %sign3A_407 = arith.cmpi slt, %jit3A_394, %sign3A_406 : i32
      %sign3A_408 = arith.extui %sign3A_407 : i1 to i32
      %sign3A_409 = arith.subi %sign3A_405, %sign3A_408 : i32
      %ne3A_410 = arith.cmpi ne, %sign3A_402, %sign3A_409 : i32
      %rem3A_411 = arith.remsi %add3A_345, %jit3A_394 : i32
      %ne3A_412 = arith.constant 0 : i32
      %ne3A_413 = arith.cmpi ne, %rem3A_411, %ne3A_412 : i32
      %and3A_414 = arith.andi %ne3A_410, %ne3A_413 : i1
      %sub3A_415 = arith.constant 1 : i32
      %sub3A_416 = arith.subi %div3A_395, %sub3A_415 : i32
      %select_n3A_417 = arith.select %and3A_414, %sub3A_416, %div3A_395 : i32
      %rem3A_418 = arith.constant 4 : i32
      %rem3A_419 = arith.remsi %add3A_345, %rem3A_418 : i32
      %mul3A_420 = arith.constant 128 : i32
      %mul3A_421 = arith.muli %rem3A_419, %mul3A_420 : i32
      %add3A_422 = arith.addi %mul3A_2, %mul3A_421 : i32
      %dma_wait3A_423 = arith.constant 0 : i32
      %dma_wait3A_424 = tpu.memref_slice %arg4[%add3A_422, %select_n3A_417, %dma_wait3A_423] : memref<16384x50x128xf32, #tpu.memory_space<hbm>> -> memref<128x1x128xf32, #tpu.memory_space<hbm>>
      %dma_wait3A_425 = arith.constant 0 : i32
      %dma_wait3A_426 = tpu.memref_slice %arg4[%add3A_422, %select_n3A_417, %dma_wait3A_425] : memref<16384x50x128xf32, #tpu.memory_space<hbm>> -> memref<128x1x128xf32, #tpu.memory_space<hbm>>
      tpu.wait_dma2 semaphore(%arg15 : memref<!tpu.dma_semaphore, #tpu.memory_space<semaphore_mem>>) src(%arg7 : memref<128x1x128xf32, #tpu.memory_space<vmem>>) dst(%dma_wait3A_426 : memref<128x1x128xf32, #tpu.memory_space<hbm>>)
      %add3A_427 = arith.constant 4 : i32
      %add3A_428 = arith.addi %add3A_345, %add3A_427 : i32
      %jit3A_429 = arith.constant 4 : i32
      %div3A_430 = arith.divsi %add3A_428, %jit3A_429 : i32
      %sign3A_431 = arith.constant 0 : i32
      %sign3A_432 = arith.cmpi sgt, %add3A_428, %sign3A_431 : i32
      %sign3A_433 = arith.extui %sign3A_432 : i1 to i32
      %sign3A_434 = arith.constant 0 : i32
      %sign3A_435 = arith.cmpi slt, %add3A_428, %sign3A_434 : i32
      %sign3A_436 = arith.extui %sign3A_435 : i1 to i32
      %sign3A_437 = arith.subi %sign3A_433, %sign3A_436 : i32
      %sign3A_438 = arith.constant 0 : i32
      %sign3A_439 = arith.cmpi sgt, %jit3A_429, %sign3A_438 : i32
      %sign3A_440 = arith.extui %sign3A_439 : i1 to i32
      %sign3A_441 = arith.constant 0 : i32
      %sign3A_442 = arith.cmpi slt, %jit3A_429, %sign3A_441 : i32
      %sign3A_443 = arith.extui %sign3A_442 : i1 to i32
      %sign3A_444 = arith.subi %sign3A_440, %sign3A_443 : i32
      %ne3A_445 = arith.cmpi ne, %sign3A_437, %sign3A_444 : i32
      %rem3A_446 = arith.remsi %add3A_428, %jit3A_429 : i32
      %ne3A_447 = arith.constant 0 : i32
      %ne3A_448 = arith.cmpi ne, %rem3A_446, %ne3A_447 : i32
      %and3A_449 = arith.andi %ne3A_445, %ne3A_448 : i1
      %sub3A_450 = arith.constant 1 : i32
      %sub3A_451 = arith.subi %div3A_430, %sub3A_450 : i32
      %select_n3A_452 = arith.select %and3A_449, %sub3A_451, %div3A_430 : i32
      %rem3A_453 = arith.constant 4 : i32
      %rem3A_454 = arith.remsi %add3A_428, %rem3A_453 : i32
      %mul3A_455 = arith.constant 128 : i32
      %mul3A_456 = arith.muli %rem3A_454, %mul3A_455 : i32
      %dma_start3A_457 = arith.constant 0 : i32
      %dma_start3A_458 = arith.constant 0 : i32
      %dma_start3A_459 = arith.constant 0 : i32
      %dma_start3A_460 = tpu.memref_slice %arg7[%dma_start3A_458, %dma_start3A_457, %dma_start3A_459] : memref<128x1x128xf32, #tpu.memory_space<vmem>> -> memref<128x1x128xf32, #tpu.memory_space<vmem>>
      %dma_start3A_461 = tpu.memref_squeeze %dma_start3A_460 : memref<128x1x128xf32, #tpu.memory_space<vmem>> -> memref<128x128xf32, #tpu.memory_space<vmem>>
      %dma_start3A_462 = tpu.memref_slice %arg5[%select_n3A_452, %mul3A_456] : memref<50x512xi32, #tpu.memory_space<vmem>> -> memref<1x128xi32, #tpu.memory_space<vmem>>
      %dma_start3A_463 = tpu.memref_squeeze %dma_start3A_462 : memref<1x128xi32, #tpu.memory_space<vmem>> -> memref<128xi32, #tpu.memory_space<vmem>>
      %dma_start3A_464 = arith.constant 0 : i32
      %dma_start3A_465 = arith.constant 0 : i32
      %dma_start3A_466 = tpu.memref_slice %arg2[%dma_start3A_464, %dma_start3A_465] : memref<1000000x128xf32, #tpu.memory_space<hbm>> -> memref<1000000x128xf32, #tpu.memory_space<hbm>>
      tpu.enqueue_indirect_dma source(%dma_start3A_466 : memref<1000000x128xf32, #tpu.memory_space<hbm>>) target(%dma_start3A_461 : memref<128x128xf32, #tpu.memory_space<vmem>>) offsets(%dma_start3A_463 : memref<128xi32, #tpu.memory_space<vmem>>) semaphore(%arg11 : memref<!tpu.dma_semaphore, #tpu.memory_space<semaphore_mem>>)
      %add3A_467 = arith.constant 2 : i32
      %add3A_468 = arith.addi %mul3A_227, %add3A_467 : i32
      %dma_wait3A_469 = arith.constant 0 : i32
      %dma_wait3A_470 = arith.constant 0 : i32
      %dma_wait3A_471 = arith.constant 0 : i32
      %dma_wait3A_472 = tpu.memref_slice %arg8[%dma_wait3A_470, %dma_wait3A_469, %dma_wait3A_471] : memref<128x1x128xf32, #tpu.memory_space<vmem>> -> memref<128x1x128xf32, #tpu.memory_space<vmem>>
      %dma_wait3A_473 = tpu.memref_squeeze %dma_wait3A_472 : memref<128x1x128xf32, #tpu.memory_space<vmem>> -> memref<128x128xf32, #tpu.memory_space<vmem>>
      %dma_wait3A_474 = arith.constant 0 : i32
      %dma_wait3A_475 = arith.constant 0 : i32
      %dma_wait3A_476 = tpu.memref_slice %arg2[%dma_wait3A_474, %dma_wait3A_475] : memref<1000000x128xf32, #tpu.memory_space<hbm>> -> memref<128x128xf32, #tpu.memory_space<hbm>>
      %dma_wait3A_477 = arith.constant 0 : i32
      %dma_wait3A_478 = arith.constant 0 : i32
      %dma_wait3A_479 = tpu.memref_slice %arg8[%dma_wait3A_477, %dma_wait3A_469, %dma_wait3A_478] : memref<128x1x128xf32, #tpu.memory_space<vmem>> -> memref<128x1x128xf32, #tpu.memory_space<vmem>>
      %dma_wait3A_480 = tpu.memref_squeeze %dma_wait3A_479 : memref<128x1x128xf32, #tpu.memory_space<vmem>> -> memref<128x128xf32, #tpu.memory_space<vmem>>
      %dma_wait3A_481 = arith.constant 0 : i32
      %dma_wait3A_482 = arith.constant 0 : i32
      %dma_wait3A_483 = tpu.memref_slice %arg2[%dma_wait3A_481, %dma_wait3A_482] : memref<1000000x128xf32, #tpu.memory_space<hbm>> -> memref<128x128xf32, #tpu.memory_space<hbm>>
      tpu.wait_dma2 semaphore(%arg12 : memref<!tpu.dma_semaphore, #tpu.memory_space<semaphore_mem>>) src(%dma_wait3A_483 : memref<128x128xf32, #tpu.memory_space<hbm>>) dst(%dma_wait3A_480 : memref<128x128xf32, #tpu.memory_space<vmem>>)
      %jit3A_484 = arith.constant 4 : i32
      %div3A_485 = arith.divsi %add3A_468, %jit3A_484 : i32
      %sign3A_486 = arith.constant 0 : i32
      %sign3A_487 = arith.cmpi sgt, %add3A_468, %sign3A_486 : i32
      %sign3A_488 = arith.extui %sign3A_487 : i1 to i32
      %sign3A_489 = arith.constant 0 : i32
      %sign3A_490 = arith.cmpi slt, %add3A_468, %sign3A_489 : i32
      %sign3A_491 = arith.extui %sign3A_490 : i1 to i32
      %sign3A_492 = arith.subi %sign3A_488, %sign3A_491 : i32
      %sign3A_493 = arith.constant 0 : i32
      %sign3A_494 = arith.cmpi sgt, %jit3A_484, %sign3A_493 : i32
      %sign3A_495 = arith.extui %sign3A_494 : i1 to i32
      %sign3A_496 = arith.constant 0 : i32
      %sign3A_497 = arith.cmpi slt, %jit3A_484, %sign3A_496 : i32
      %sign3A_498 = arith.extui %sign3A_497 : i1 to i32
      %sign3A_499 = arith.subi %sign3A_495, %sign3A_498 : i32
      %ne3A_500 = arith.cmpi ne, %sign3A_492, %sign3A_499 : i32
      %rem3A_501 = arith.remsi %add3A_468, %jit3A_484 : i32
      %ne3A_502 = arith.constant 0 : i32
      %ne3A_503 = arith.cmpi ne, %rem3A_501, %ne3A_502 : i32
      %and3A_504 = arith.andi %ne3A_500, %ne3A_503 : i1
      %sub3A_505 = arith.constant 1 : i32
      %sub3A_506 = arith.subi %div3A_485, %sub3A_505 : i32
      %select_n3A_507 = arith.select %and3A_504, %sub3A_506, %div3A_485 : i32
      %rem3A_508 = arith.constant 4 : i32
      %rem3A_509 = arith.remsi %add3A_468, %rem3A_508 : i32
      %mul3A_510 = arith.constant 128 : i32
      %mul3A_511 = arith.muli %rem3A_509, %mul3A_510 : i32
      %add3A_512 = arith.addi %mul3A_2, %mul3A_511 : i32
      %dma_start3A_513 = arith.constant 0 : i32
      %dma_start3A_514 = tpu.memref_slice %arg4[%add3A_512, %select_n3A_507, %dma_start3A_513] : memref<16384x50x128xf32, #tpu.memory_space<hbm>> -> memref<128x1x128xf32, #tpu.memory_space<hbm>>
      %dma_start3A_515 = arith.constant 0 : i32
      %dma_start3A_516 = tpu.memref_slice %arg4[%add3A_512, %select_n3A_507, %dma_start3A_515] : memref<16384x50x128xf32, #tpu.memory_space<hbm>> -> memref<128x1x128xf32, #tpu.memory_space<hbm>>
      tpu.enqueue_dma source(%arg8 : memref<128x1x128xf32, #tpu.memory_space<vmem>>) target(%dma_start3A_516 : memref<128x1x128xf32, #tpu.memory_space<hbm>>) target_semaphore(%arg16 : memref<!tpu.dma_semaphore, #tpu.memory_space<semaphore_mem>>)
      %jit3A_517 = arith.constant 4 : i32
      %div3A_518 = arith.divsi %add3A_468, %jit3A_517 : i32
      %sign3A_519 = arith.constant 0 : i32
      %sign3A_520 = arith.cmpi sgt, %add3A_468, %sign3A_519 : i32
      %sign3A_521 = arith.extui %sign3A_520 : i1 to i32
      %sign3A_522 = arith.constant 0 : i32
      %sign3A_523 = arith.cmpi slt, %add3A_468, %sign3A_522 : i32
      %sign3A_524 = arith.extui %sign3A_523 : i1 to i32
      %sign3A_525 = arith.subi %sign3A_521, %sign3A_524 : i32
      %sign3A_526 = arith.constant 0 : i32
      %sign3A_527 = arith.cmpi sgt, %jit3A_517, %sign3A_526 : i32
      %sign3A_528 = arith.extui %sign3A_527 : i1 to i32
      %sign3A_529 = arith.constant 0 : i32
      %sign3A_530 = arith.cmpi slt, %jit3A_517, %sign3A_529 : i32
      %sign3A_531 = arith.extui %sign3A_530 : i1 to i32
      %sign3A_532 = arith.subi %sign3A_528, %sign3A_531 : i32
      %ne3A_533 = arith.cmpi ne, %sign3A_525, %sign3A_532 : i32
      %rem3A_534 = arith.remsi %add3A_468, %jit3A_517 : i32
      %ne3A_535 = arith.constant 0 : i32
      %ne3A_536 = arith.cmpi ne, %rem3A_534, %ne3A_535 : i32
      %and3A_537 = arith.andi %ne3A_533, %ne3A_536 : i1
      %sub3A_538 = arith.constant 1 : i32
      %sub3A_539 = arith.subi %div3A_518, %sub3A_538 : i32
      %select_n3A_540 = arith.select %and3A_537, %sub3A_539, %div3A_518 : i32
      %rem3A_541 = arith.constant 4 : i32
      %rem3A_542 = arith.remsi %add3A_468, %rem3A_541 : i32
      %mul3A_543 = arith.constant 128 : i32
      %mul3A_544 = arith.muli %rem3A_542, %mul3A_543 : i32
      %add3A_545 = arith.addi %mul3A_2, %mul3A_544 : i32
      %dma_wait3A_546 = arith.constant 0 : i32
      %dma_wait3A_547 = tpu.memref_slice %arg4[%add3A_545, %select_n3A_540, %dma_wait3A_546] : memref<16384x50x128xf32, #tpu.memory_space<hbm>> -> memref<128x1x128xf32, #tpu.memory_space<hbm>>
      %dma_wait3A_548 = arith.constant 0 : i32
      %dma_wait3A_549 = tpu.memref_slice %arg4[%add3A_545, %select_n3A_540, %dma_wait3A_548] : memref<16384x50x128xf32, #tpu.memory_space<hbm>> -> memref<128x1x128xf32, #tpu.memory_space<hbm>>
      tpu.wait_dma2 semaphore(%arg16 : memref<!tpu.dma_semaphore, #tpu.memory_space<semaphore_mem>>) src(%arg8 : memref<128x1x128xf32, #tpu.memory_space<vmem>>) dst(%dma_wait3A_549 : memref<128x1x128xf32, #tpu.memory_space<hbm>>)
      %add3A_550 = arith.constant 4 : i32
      %add3A_551 = arith.addi %add3A_468, %add3A_550 : i32
      %jit3A_552 = arith.constant 4 : i32
      %div3A_553 = arith.divsi %add3A_551, %jit3A_552 : i32
      %sign3A_554 = arith.constant 0 : i32
      %sign3A_555 = arith.cmpi sgt, %add3A_551, %sign3A_554 : i32
      %sign3A_556 = arith.extui %sign3A_555 : i1 to i32
      %sign3A_557 = arith.constant 0 : i32
      %sign3A_558 = arith.cmpi slt, %add3A_551, %sign3A_557 : i32
      %sign3A_559 = arith.extui %sign3A_558 : i1 to i32
      %sign3A_560 = arith.subi %sign3A_556, %sign3A_559 : i32
      %sign3A_561 = arith.constant 0 : i32
      %sign3A_562 = arith.cmpi sgt, %jit3A_552, %sign3A_561 : i32
      %sign3A_563 = arith.extui %sign3A_562 : i1 to i32
      %sign3A_564 = arith.constant 0 : i32
      %sign3A_565 = arith.cmpi slt, %jit3A_552, %sign3A_564 : i32
      %sign3A_566 = arith.extui %sign3A_565 : i1 to i32
      %sign3A_567 = arith.subi %sign3A_563, %sign3A_566 : i32
      %ne3A_568 = arith.cmpi ne, %sign3A_560, %sign3A_567 : i32
      %rem3A_569 = arith.remsi %add3A_551, %jit3A_552 : i32
      %ne3A_570 = arith.constant 0 : i32
      %ne3A_571 = arith.cmpi ne, %rem3A_569, %ne3A_570 : i32
      %and3A_572 = arith.andi %ne3A_568, %ne3A_571 : i1
      %sub3A_573 = arith.constant 1 : i32
      %sub3A_574 = arith.subi %div3A_553, %sub3A_573 : i32
      %select_n3A_575 = arith.select %and3A_572, %sub3A_574, %div3A_553 : i32
      %rem3A_576 = arith.constant 4 : i32
      %rem3A_577 = arith.remsi %add3A_551, %rem3A_576 : i32
      %mul3A_578 = arith.constant 128 : i32
      %mul3A_579 = arith.muli %rem3A_577, %mul3A_578 : i32
      %dma_start3A_580 = arith.constant 0 : i32
      %dma_start3A_581 = arith.constant 0 : i32
      %dma_start3A_582 = arith.constant 0 : i32
      %dma_start3A_583 = tpu.memref_slice %arg8[%dma_start3A_581, %dma_start3A_580, %dma_start3A_582] : memref<128x1x128xf32, #tpu.memory_space<vmem>> -> memref<128x1x128xf32, #tpu.memory_space<vmem>>
      %dma_start3A_584 = tpu.memref_squeeze %dma_start3A_583 : memref<128x1x128xf32, #tpu.memory_space<vmem>> -> memref<128x128xf32, #tpu.memory_space<vmem>>
      %dma_start3A_585 = tpu.memref_slice %arg5[%select_n3A_575, %mul3A_579] : memref<50x512xi32, #tpu.memory_space<vmem>> -> memref<1x128xi32, #tpu.memory_space<vmem>>
      %dma_start3A_586 = tpu.memref_squeeze %dma_start3A_585 : memref<1x128xi32, #tpu.memory_space<vmem>> -> memref<128xi32, #tpu.memory_space<vmem>>
      %dma_start3A_587 = arith.constant 0 : i32
      %dma_start3A_588 = arith.constant 0 : i32
      %dma_start3A_589 = tpu.memref_slice %arg2[%dma_start3A_587, %dma_start3A_588] : memref<1000000x128xf32, #tpu.memory_space<hbm>> -> memref<1000000x128xf32, #tpu.memory_space<hbm>>
      tpu.enqueue_indirect_dma source(%dma_start3A_589 : memref<1000000x128xf32, #tpu.memory_space<hbm>>) target(%dma_start3A_584 : memref<128x128xf32, #tpu.memory_space<vmem>>) offsets(%dma_start3A_586 : memref<128xi32, #tpu.memory_space<vmem>>) semaphore(%arg12 : memref<!tpu.dma_semaphore, #tpu.memory_space<semaphore_mem>>)
      %add3A_590 = arith.constant 3 : i32
      %add3A_591 = arith.addi %mul3A_227, %add3A_590 : i32
      %dma_wait3A_592 = arith.constant 0 : i32
      %dma_wait3A_593 = arith.constant 0 : i32
      %dma_wait3A_594 = arith.constant 0 : i32
      %dma_wait3A_595 = tpu.memref_slice %arg9[%dma_wait3A_593, %dma_wait3A_592, %dma_wait3A_594] : memref<128x1x128xf32, #tpu.memory_space<vmem>> -> memref<128x1x128xf32, #tpu.memory_space<vmem>>
      %dma_wait3A_596 = tpu.memref_squeeze %dma_wait3A_595 : memref<128x1x128xf32, #tpu.memory_space<vmem>> -> memref<128x128xf32, #tpu.memory_space<vmem>>
      %dma_wait3A_597 = arith.constant 0 : i32
      %dma_wait3A_598 = arith.constant 0 : i32
      %dma_wait3A_599 = tpu.memref_slice %arg2[%dma_wait3A_597, %dma_wait3A_598] : memref<1000000x128xf32, #tpu.memory_space<hbm>> -> memref<128x128xf32, #tpu.memory_space<hbm>>
      %dma_wait3A_600 = arith.constant 0 : i32
      %dma_wait3A_601 = arith.constant 0 : i32
      %dma_wait3A_602 = tpu.memref_slice %arg9[%dma_wait3A_600, %dma_wait3A_592, %dma_wait3A_601] : memref<128x1x128xf32, #tpu.memory_space<vmem>> -> memref<128x1x128xf32, #tpu.memory_space<vmem>>
      %dma_wait3A_603 = tpu.memref_squeeze %dma_wait3A_602 : memref<128x1x128xf32, #tpu.memory_space<vmem>> -> memref<128x128xf32, #tpu.memory_space<vmem>>
      %dma_wait3A_604 = arith.constant 0 : i32
      %dma_wait3A_605 = arith.constant 0 : i32
      %dma_wait3A_606 = tpu.memref_slice %arg2[%dma_wait3A_604, %dma_wait3A_605] : memref<1000000x128xf32, #tpu.memory_space<hbm>> -> memref<128x128xf32, #tpu.memory_space<hbm>>
      tpu.wait_dma2 semaphore(%arg13 : memref<!tpu.dma_semaphore, #tpu.memory_space<semaphore_mem>>) src(%dma_wait3A_606 : memref<128x128xf32, #tpu.memory_space<hbm>>) dst(%dma_wait3A_603 : memref<128x128xf32, #tpu.memory_space<vmem>>)
      %jit3A_607 = arith.constant 4 : i32
      %div3A_608 = arith.divsi %add3A_591, %jit3A_607 : i32
      %sign3A_609 = arith.constant 0 : i32
      %sign3A_610 = arith.cmpi sgt, %add3A_591, %sign3A_609 : i32
      %sign3A_611 = arith.extui %sign3A_610 : i1 to i32
      %sign3A_612 = arith.constant 0 : i32
      %sign3A_613 = arith.cmpi slt, %add3A_591, %sign3A_612 : i32
      %sign3A_614 = arith.extui %sign3A_613 : i1 to i32
      %sign3A_615 = arith.subi %sign3A_611, %sign3A_614 : i32
      %sign3A_616 = arith.constant 0 : i32
      %sign3A_617 = arith.cmpi sgt, %jit3A_607, %sign3A_616 : i32
      %sign3A_618 = arith.extui %sign3A_617 : i1 to i32
      %sign3A_619 = arith.constant 0 : i32
      %sign3A_620 = arith.cmpi slt, %jit3A_607, %sign3A_619 : i32
      %sign3A_621 = arith.extui %sign3A_620 : i1 to i32
      %sign3A_622 = arith.subi %sign3A_618, %sign3A_621 : i32
      %ne3A_623 = arith.cmpi ne, %sign3A_615, %sign3A_622 : i32
      %rem3A_624 = arith.remsi %add3A_591, %jit3A_607 : i32
      %ne3A_625 = arith.constant 0 : i32
      %ne3A_626 = arith.cmpi ne, %rem3A_624, %ne3A_625 : i32
      %and3A_627 = arith.andi %ne3A_623, %ne3A_626 : i1
      %sub3A_628 = arith.constant 1 : i32
      %sub3A_629 = arith.subi %div3A_608, %sub3A_628 : i32
      %select_n3A_630 = arith.select %and3A_627, %sub3A_629, %div3A_608 : i32
      %rem3A_631 = arith.constant 4 : i32
      %rem3A_632 = arith.remsi %add3A_591, %rem3A_631 : i32
      %mul3A_633 = arith.constant 128 : i32
      %mul3A_634 = arith.muli %rem3A_632, %mul3A_633 : i32
      %add3A_635 = arith.addi %mul3A_2, %mul3A_634 : i32
      %dma_start3A_636 = arith.constant 0 : i32
      %dma_start3A_637 = tpu.memref_slice %arg4[%add3A_635, %select_n3A_630, %dma_start3A_636] : memref<16384x50x128xf32, #tpu.memory_space<hbm>> -> memref<128x1x128xf32, #tpu.memory_space<hbm>>
      %dma_start3A_638 = arith.constant 0 : i32
      %dma_start3A_639 = tpu.memref_slice %arg4[%add3A_635, %select_n3A_630, %dma_start3A_638] : memref<16384x50x128xf32, #tpu.memory_space<hbm>> -> memref<128x1x128xf32, #tpu.memory_space<hbm>>
      tpu.enqueue_dma source(%arg9 : memref<128x1x128xf32, #tpu.memory_space<vmem>>) target(%dma_start3A_639 : memref<128x1x128xf32, #tpu.memory_space<hbm>>) target_semaphore(%arg17 : memref<!tpu.dma_semaphore, #tpu.memory_space<semaphore_mem>>)
      %jit3A_640 = arith.constant 4 : i32
      %div3A_641 = arith.divsi %add3A_591, %jit3A_640 : i32
      %sign3A_642 = arith.constant 0 : i32
      %sign3A_643 = arith.cmpi sgt, %add3A_591, %sign3A_642 : i32
      %sign3A_644 = arith.extui %sign3A_643 : i1 to i32
      %sign3A_645 = arith.constant 0 : i32
      %sign3A_646 = arith.cmpi slt, %add3A_591, %sign3A_645 : i32
      %sign3A_647 = arith.extui %sign3A_646 : i1 to i32
      %sign3A_648 = arith.subi %sign3A_644, %sign3A_647 : i32
      %sign3A_649 = arith.constant 0 : i32
      %sign3A_650 = arith.cmpi sgt, %jit3A_640, %sign3A_649 : i32
      %sign3A_651 = arith.extui %sign3A_650 : i1 to i32
      %sign3A_652 = arith.constant 0 : i32
      %sign3A_653 = arith.cmpi slt, %jit3A_640, %sign3A_652 : i32
      %sign3A_654 = arith.extui %sign3A_653 : i1 to i32
      %sign3A_655 = arith.subi %sign3A_651, %sign3A_654 : i32
      %ne3A_656 = arith.cmpi ne, %sign3A_648, %sign3A_655 : i32
      %rem3A_657 = arith.remsi %add3A_591, %jit3A_640 : i32
      %ne3A_658 = arith.constant 0 : i32
      %ne3A_659 = arith.cmpi ne, %rem3A_657, %ne3A_658 : i32
      %and3A_660 = arith.andi %ne3A_656, %ne3A_659 : i1
      %sub3A_661 = arith.constant 1 : i32
      %sub3A_662 = arith.subi %div3A_641, %sub3A_661 : i32
      %select_n3A_663 = arith.select %and3A_660, %sub3A_662, %div3A_641 : i32
      %rem3A_664 = arith.constant 4 : i32
      %rem3A_665 = arith.remsi %add3A_591, %rem3A_664 : i32
      %mul3A_666 = arith.constant 128 : i32
      %mul3A_667 = arith.muli %rem3A_665, %mul3A_666 : i32
      %add3A_668 = arith.addi %mul3A_2, %mul3A_667 : i32
      %dma_wait3A_669 = arith.constant 0 : i32
      %dma_wait3A_670 = tpu.memref_slice %arg4[%add3A_668, %select_n3A_663, %dma_wait3A_669] : memref<16384x50x128xf32, #tpu.memory_space<hbm>> -> memref<128x1x128xf32, #tpu.memory_space<hbm>>
      %dma_wait3A_671 = arith.constant 0 : i32
      %dma_wait3A_672 = tpu.memref_slice %arg4[%add3A_668, %select_n3A_663, %dma_wait3A_671] : memref<16384x50x128xf32, #tpu.memory_space<hbm>> -> memref<128x1x128xf32, #tpu.memory_space<hbm>>
      tpu.wait_dma2 semaphore(%arg17 : memref<!tpu.dma_semaphore, #tpu.memory_space<semaphore_mem>>) src(%arg9 : memref<128x1x128xf32, #tpu.memory_space<vmem>>) dst(%dma_wait3A_672 : memref<128x1x128xf32, #tpu.memory_space<hbm>>)
      %add3A_673 = arith.constant 4 : i32
      %add3A_674 = arith.addi %add3A_591, %add3A_673 : i32
      %jit3A_675 = arith.constant 4 : i32
      %div3A_676 = arith.divsi %add3A_674, %jit3A_675 : i32
      %sign3A_677 = arith.constant 0 : i32
      %sign3A_678 = arith.cmpi sgt, %add3A_674, %sign3A_677 : i32
      %sign3A_679 = arith.extui %sign3A_678 : i1 to i32
      %sign3A_680 = arith.constant 0 : i32
      %sign3A_681 = arith.cmpi slt, %add3A_674, %sign3A_680 : i32
      %sign3A_682 = arith.extui %sign3A_681 : i1 to i32
      %sign3A_683 = arith.subi %sign3A_679, %sign3A_682 : i32
      %sign3A_684 = arith.constant 0 : i32
      %sign3A_685 = arith.cmpi sgt, %jit3A_675, %sign3A_684 : i32
      %sign3A_686 = arith.extui %sign3A_685 : i1 to i32
      %sign3A_687 = arith.constant 0 : i32
      %sign3A_688 = arith.cmpi slt, %jit3A_675, %sign3A_687 : i32
      %sign3A_689 = arith.extui %sign3A_688 : i1 to i32
      %sign3A_690 = arith.subi %sign3A_686, %sign3A_689 : i32
      %ne3A_691 = arith.cmpi ne, %sign3A_683, %sign3A_690 : i32
      %rem3A_692 = arith.remsi %add3A_674, %jit3A_675 : i32
      %ne3A_693 = arith.constant 0 : i32
      %ne3A_694 = arith.cmpi ne, %rem3A_692, %ne3A_693 : i32
      %and3A_695 = arith.andi %ne3A_691, %ne3A_694 : i1
      %sub3A_696 = arith.constant 1 : i32
      %sub3A_697 = arith.subi %div3A_676, %sub3A_696 : i32
      %select_n3A_698 = arith.select %and3A_695, %sub3A_697, %div3A_676 : i32
      %rem3A_699 = arith.constant 4 : i32
      %rem3A_700 = arith.remsi %add3A_674, %rem3A_699 : i32
      %mul3A_701 = arith.constant 128 : i32
      %mul3A_702 = arith.muli %rem3A_700, %mul3A_701 : i32
      %dma_start3A_703 = arith.constant 0 : i32
      %dma_start3A_704 = arith.constant 0 : i32
      %dma_start3A_705 = arith.constant 0 : i32
      %dma_start3A_706 = tpu.memref_slice %arg9[%dma_start3A_704, %dma_start3A_703, %dma_start3A_705] : memref<128x1x128xf32, #tpu.memory_space<vmem>> -> memref<128x1x128xf32, #tpu.memory_space<vmem>>
      %dma_start3A_707 = tpu.memref_squeeze %dma_start3A_706 : memref<128x1x128xf32, #tpu.memory_space<vmem>> -> memref<128x128xf32, #tpu.memory_space<vmem>>
      %dma_start3A_708 = tpu.memref_slice %arg5[%select_n3A_698, %mul3A_702] : memref<50x512xi32, #tpu.memory_space<vmem>> -> memref<1x128xi32, #tpu.memory_space<vmem>>
      %dma_start3A_709 = tpu.memref_squeeze %dma_start3A_708 : memref<1x128xi32, #tpu.memory_space<vmem>> -> memref<128xi32, #tpu.memory_space<vmem>>
      %dma_start3A_710 = arith.constant 0 : i32
      %dma_start3A_711 = arith.constant 0 : i32
      %dma_start3A_712 = tpu.memref_slice %arg2[%dma_start3A_710, %dma_start3A_711] : memref<1000000x128xf32, #tpu.memory_space<hbm>> -> memref<1000000x128xf32, #tpu.memory_space<hbm>>
      tpu.enqueue_indirect_dma source(%dma_start3A_712 : memref<1000000x128xf32, #tpu.memory_space<hbm>>) target(%dma_start3A_707 : memref<128x128xf32, #tpu.memory_space<vmem>>) offsets(%dma_start3A_709 : memref<128xi32, #tpu.memory_space<vmem>>) semaphore(%arg13 : memref<!tpu.dma_semaphore, #tpu.memory_space<semaphore_mem>>)
    }
    %scan3A_69 = arith.constant 49 : i32
    %dma_wait3A = arith.constant 0 : i32
    %dma_wait3A_70 = arith.constant 0 : i32
    %dma_wait3A_71 = arith.constant 0 : i32
    %dma_wait3A_72 = tpu.memref_slice %arg6[%dma_wait3A_70, %dma_wait3A, %dma_wait3A_71] : memref<128x1x128xf32, #tpu.memory_space<vmem>> -> memref<128x1x128xf32, #tpu.memory_space<vmem>>
    %dma_wait3A_73 = tpu.memref_squeeze %dma_wait3A_72 : memref<128x1x128xf32, #tpu.memory_space<vmem>> -> memref<128x128xf32, #tpu.memory_space<vmem>>
    %dma_wait3A_74 = arith.constant 0 : i32
    %dma_wait3A_75 = arith.constant 0 : i32
    %dma_wait3A_76 = tpu.memref_slice %arg2[%dma_wait3A_74, %dma_wait3A_75] : memref<1000000x128xf32, #tpu.memory_space<hbm>> -> memref<128x128xf32, #tpu.memory_space<hbm>>
    %dma_wait3A_77 = arith.constant 0 : i32
    %dma_wait3A_78 = arith.constant 0 : i32
    %dma_wait3A_79 = tpu.memref_slice %arg6[%dma_wait3A_77, %dma_wait3A, %dma_wait3A_78] : memref<128x1x128xf32, #tpu.memory_space<vmem>> -> memref<128x1x128xf32, #tpu.memory_space<vmem>>
    %dma_wait3A_80 = tpu.memref_squeeze %dma_wait3A_79 : memref<128x1x128xf32, #tpu.memory_space<vmem>> -> memref<128x128xf32, #tpu.memory_space<vmem>>
    %dma_wait3A_81 = arith.constant 0 : i32
    %dma_wait3A_82 = arith.constant 0 : i32
    %dma_wait3A_83 = tpu.memref_slice %arg2[%dma_wait3A_81, %dma_wait3A_82] : memref<1000000x128xf32, #tpu.memory_space<hbm>> -> memref<128x128xf32, #tpu.memory_space<hbm>>
    tpu.wait_dma2 semaphore(%arg10 : memref<!tpu.dma_semaphore, #tpu.memory_space<semaphore_mem>>) src(%dma_wait3A_83 : memref<128x128xf32, #tpu.memory_space<hbm>>) dst(%dma_wait3A_80 : memref<128x128xf32, #tpu.memory_space<vmem>>)
    %rem3A_84 = arith.constant 196 : i32
    %rem3A_85 = arith.constant 4 : i32
    %rem3A_86 = arith.remsi %rem3A_84, %rem3A_85 : i32
    %mul3A_87 = arith.constant 128 : i32
    %mul3A_88 = arith.muli %rem3A_86, %mul3A_87 : i32
    %add3A_89 = arith.addi %mul3A_2, %mul3A_88 : i32
    %dma_start3A_90 = arith.constant 49 : i32
    %dma_start3A_91 = arith.constant 0 : i32
    %dma_start3A_92 = tpu.memref_slice %arg4[%add3A_89, %dma_start3A_90, %dma_start3A_91] : memref<16384x50x128xf32, #tpu.memory_space<hbm>> -> memref<128x1x128xf32, #tpu.memory_space<hbm>>
    %dma_start3A_93 = arith.constant 49 : i32
    %dma_start3A_94 = arith.constant 0 : i32
    %dma_start3A_95 = tpu.memref_slice %arg4[%add3A_89, %dma_start3A_93, %dma_start3A_94] : memref<16384x50x128xf32, #tpu.memory_space<hbm>> -> memref<128x1x128xf32, #tpu.memory_space<hbm>>
    tpu.enqueue_dma source(%arg6 : memref<128x1x128xf32, #tpu.memory_space<vmem>>) target(%dma_start3A_95 : memref<128x1x128xf32, #tpu.memory_space<hbm>>) target_semaphore(%arg14 : memref<!tpu.dma_semaphore, #tpu.memory_space<semaphore_mem>>)
    %rem3A_96 = arith.constant 196 : i32
    %rem3A_97 = arith.constant 4 : i32
    %rem3A_98 = arith.remsi %rem3A_96, %rem3A_97 : i32
    %mul3A_99 = arith.constant 128 : i32
    %mul3A_100 = arith.muli %rem3A_98, %mul3A_99 : i32
    %add3A_101 = arith.addi %mul3A_2, %mul3A_100 : i32
    %dma_wait3A_102 = arith.constant 49 : i32
    %dma_wait3A_103 = arith.constant 0 : i32
    %dma_wait3A_104 = tpu.memref_slice %arg4[%add3A_101, %dma_wait3A_102, %dma_wait3A_103] : memref<16384x50x128xf32, #tpu.memory_space<hbm>> -> memref<128x1x128xf32, #tpu.memory_space<hbm>>
    %dma_wait3A_105 = arith.constant 49 : i32
    %dma_wait3A_106 = arith.constant 0 : i32
    %dma_wait3A_107 = tpu.memref_slice %arg4[%add3A_101, %dma_wait3A_105, %dma_wait3A_106] : memref<16384x50x128xf32, #tpu.memory_space<hbm>> -> memref<128x1x128xf32, #tpu.memory_space<hbm>>
    tpu.wait_dma2 semaphore(%arg14 : memref<!tpu.dma_semaphore, #tpu.memory_space<semaphore_mem>>) src(%arg6 : memref<128x1x128xf32, #tpu.memory_space<vmem>>) dst(%dma_wait3A_107 : memref<128x1x128xf32, #tpu.memory_space<hbm>>)
    %dma_wait3A_108 = arith.constant 0 : i32
    %dma_wait3A_109 = arith.constant 0 : i32
    %dma_wait3A_110 = arith.constant 0 : i32
    %dma_wait3A_111 = tpu.memref_slice %arg7[%dma_wait3A_109, %dma_wait3A_108, %dma_wait3A_110] : memref<128x1x128xf32, #tpu.memory_space<vmem>> -> memref<128x1x128xf32, #tpu.memory_space<vmem>>
    %dma_wait3A_112 = tpu.memref_squeeze %dma_wait3A_111 : memref<128x1x128xf32, #tpu.memory_space<vmem>> -> memref<128x128xf32, #tpu.memory_space<vmem>>
    %dma_wait3A_113 = arith.constant 0 : i32
    %dma_wait3A_114 = arith.constant 0 : i32
    %dma_wait3A_115 = tpu.memref_slice %arg2[%dma_wait3A_113, %dma_wait3A_114] : memref<1000000x128xf32, #tpu.memory_space<hbm>> -> memref<128x128xf32, #tpu.memory_space<hbm>>
    %dma_wait3A_116 = arith.constant 0 : i32
    %dma_wait3A_117 = arith.constant 0 : i32
    %dma_wait3A_118 = tpu.memref_slice %arg7[%dma_wait3A_116, %dma_wait3A_108, %dma_wait3A_117] : memref<128x1x128xf32, #tpu.memory_space<vmem>> -> memref<128x1x128xf32, #tpu.memory_space<vmem>>
    %dma_wait3A_119 = tpu.memref_squeeze %dma_wait3A_118 : memref<128x1x128xf32, #tpu.memory_space<vmem>> -> memref<128x128xf32, #tpu.memory_space<vmem>>
    %dma_wait3A_120 = arith.constant 0 : i32
    %dma_wait3A_121 = arith.constant 0 : i32
    %dma_wait3A_122 = tpu.memref_slice %arg2[%dma_wait3A_120, %dma_wait3A_121] : memref<1000000x128xf32, #tpu.memory_space<hbm>> -> memref<128x128xf32, #tpu.memory_space<hbm>>
    tpu.wait_dma2 semaphore(%arg11 : memref<!tpu.dma_semaphore, #tpu.memory_space<semaphore_mem>>) src(%dma_wait3A_122 : memref<128x128xf32, #tpu.memory_space<hbm>>) dst(%dma_wait3A_119 : memref<128x128xf32, #tpu.memory_space<vmem>>)
    %rem3A_123 = arith.constant 197 : i32
    %rem3A_124 = arith.constant 4 : i32
    %rem3A_125 = arith.remsi %rem3A_123, %rem3A_124 : i32
    %mul3A_126 = arith.constant 128 : i32
    %mul3A_127 = arith.muli %rem3A_125, %mul3A_126 : i32
    %add3A_128 = arith.addi %mul3A_2, %mul3A_127 : i32
    %dma_start3A_129 = arith.constant 49 : i32
    %dma_start3A_130 = arith.constant 0 : i32
    %dma_start3A_131 = tpu.memref_slice %arg4[%add3A_128, %dma_start3A_129, %dma_start3A_130] : memref<16384x50x128xf32, #tpu.memory_space<hbm>> -> memref<128x1x128xf32, #tpu.memory_space<hbm>>
    %dma_start3A_132 = arith.constant 49 : i32
    %dma_start3A_133 = arith.constant 0 : i32
    %dma_start3A_134 = tpu.memref_slice %arg4[%add3A_128, %dma_start3A_132, %dma_start3A_133] : memref<16384x50x128xf32, #tpu.memory_space<hbm>> -> memref<128x1x128xf32, #tpu.memory_space<hbm>>
    tpu.enqueue_dma source(%arg7 : memref<128x1x128xf32, #tpu.memory_space<vmem>>) target(%dma_start3A_134 : memref<128x1x128xf32, #tpu.memory_space<hbm>>) target_semaphore(%arg15 : memref<!tpu.dma_semaphore, #tpu.memory_space<semaphore_mem>>)
    %rem3A_135 = arith.constant 197 : i32
    %rem3A_136 = arith.constant 4 : i32
    %rem3A_137 = arith.remsi %rem3A_135, %rem3A_136 : i32
    %mul3A_138 = arith.constant 128 : i32
    %mul3A_139 = arith.muli %rem3A_137, %mul3A_138 : i32
    %add3A_140 = arith.addi %mul3A_2, %mul3A_139 : i32
    %dma_wait3A_141 = arith.constant 49 : i32
    %dma_wait3A_142 = arith.constant 0 : i32
    %dma_wait3A_143 = tpu.memref_slice %arg4[%add3A_140, %dma_wait3A_141, %dma_wait3A_142] : memref<16384x50x128xf32, #tpu.memory_space<hbm>> -> memref<128x1x128xf32, #tpu.memory_space<hbm>>
    %dma_wait3A_144 = arith.constant 49 : i32
    %dma_wait3A_145 = arith.constant 0 : i32
    %dma_wait3A_146 = tpu.memref_slice %arg4[%add3A_140, %dma_wait3A_144, %dma_wait3A_145] : memref<16384x50x128xf32, #tpu.memory_space<hbm>> -> memref<128x1x128xf32, #tpu.memory_space<hbm>>
    tpu.wait_dma2 semaphore(%arg15 : memref<!tpu.dma_semaphore, #tpu.memory_space<semaphore_mem>>) src(%arg7 : memref<128x1x128xf32, #tpu.memory_space<vmem>>) dst(%dma_wait3A_146 : memref<128x1x128xf32, #tpu.memory_space<hbm>>)
    %dma_wait3A_147 = arith.constant 0 : i32
    %dma_wait3A_148 = arith.constant 0 : i32
    %dma_wait3A_149 = arith.constant 0 : i32
    %dma_wait3A_150 = tpu.memref_slice %arg8[%dma_wait3A_148, %dma_wait3A_147, %dma_wait3A_149] : memref<128x1x128xf32, #tpu.memory_space<vmem>> -> memref<128x1x128xf32, #tpu.memory_space<vmem>>
    %dma_wait3A_151 = tpu.memref_squeeze %dma_wait3A_150 : memref<128x1x128xf32, #tpu.memory_space<vmem>> -> memref<128x128xf32, #tpu.memory_space<vmem>>
    %dma_wait3A_152 = arith.constant 0 : i32
    %dma_wait3A_153 = arith.constant 0 : i32
    %dma_wait3A_154 = tpu.memref_slice %arg2[%dma_wait3A_152, %dma_wait3A_153] : memref<1000000x128xf32, #tpu.memory_space<hbm>> -> memref<128x128xf32, #tpu.memory_space<hbm>>
    %dma_wait3A_155 = arith.constant 0 : i32
    %dma_wait3A_156 = arith.constant 0 : i32
    %dma_wait3A_157 = tpu.memref_slice %arg8[%dma_wait3A_155, %dma_wait3A_147, %dma_wait3A_156] : memref<128x1x128xf32, #tpu.memory_space<vmem>> -> memref<128x1x128xf32, #tpu.memory_space<vmem>>
    %dma_wait3A_158 = tpu.memref_squeeze %dma_wait3A_157 : memref<128x1x128xf32, #tpu.memory_space<vmem>> -> memref<128x128xf32, #tpu.memory_space<vmem>>
    %dma_wait3A_159 = arith.constant 0 : i32
    %dma_wait3A_160 = arith.constant 0 : i32
    %dma_wait3A_161 = tpu.memref_slice %arg2[%dma_wait3A_159, %dma_wait3A_160] : memref<1000000x128xf32, #tpu.memory_space<hbm>> -> memref<128x128xf32, #tpu.memory_space<hbm>>
    tpu.wait_dma2 semaphore(%arg12 : memref<!tpu.dma_semaphore, #tpu.memory_space<semaphore_mem>>) src(%dma_wait3A_161 : memref<128x128xf32, #tpu.memory_space<hbm>>) dst(%dma_wait3A_158 : memref<128x128xf32, #tpu.memory_space<vmem>>)
    %rem3A_162 = arith.constant 198 : i32
    %rem3A_163 = arith.constant 4 : i32
    %rem3A_164 = arith.remsi %rem3A_162, %rem3A_163 : i32
    %mul3A_165 = arith.constant 128 : i32
    %mul3A_166 = arith.muli %rem3A_164, %mul3A_165 : i32
    %add3A_167 = arith.addi %mul3A_2, %mul3A_166 : i32
    %dma_start3A_168 = arith.constant 49 : i32
    %dma_start3A_169 = arith.constant 0 : i32
    %dma_start3A_170 = tpu.memref_slice %arg4[%add3A_167, %dma_start3A_168, %dma_start3A_169] : memref<16384x50x128xf32, #tpu.memory_space<hbm>> -> memref<128x1x128xf32, #tpu.memory_space<hbm>>
    %dma_start3A_171 = arith.constant 49 : i32
    %dma_start3A_172 = arith.constant 0 : i32
    %dma_start3A_173 = tpu.memref_slice %arg4[%add3A_167, %dma_start3A_171, %dma_start3A_172] : memref<16384x50x128xf32, #tpu.memory_space<hbm>> -> memref<128x1x128xf32, #tpu.memory_space<hbm>>
    tpu.enqueue_dma source(%arg8 : memref<128x1x128xf32, #tpu.memory_space<vmem>>) target(%dma_start3A_173 : memref<128x1x128xf32, #tpu.memory_space<hbm>>) target_semaphore(%arg16 : memref<!tpu.dma_semaphore, #tpu.memory_space<semaphore_mem>>)
    %rem3A_174 = arith.constant 198 : i32
    %rem3A_175 = arith.constant 4 : i32
    %rem3A_176 = arith.remsi %rem3A_174, %rem3A_175 : i32
    %mul3A_177 = arith.constant 128 : i32
    %mul3A_178 = arith.muli %rem3A_176, %mul3A_177 : i32
    %add3A_179 = arith.addi %mul3A_2, %mul3A_178 : i32
    %dma_wait3A_180 = arith.constant 49 : i32
    %dma_wait3A_181 = arith.constant 0 : i32
    %dma_wait3A_182 = tpu.memref_slice %arg4[%add3A_179, %dma_wait3A_180, %dma_wait3A_181] : memref<16384x50x128xf32, #tpu.memory_space<hbm>> -> memref<128x1x128xf32, #tpu.memory_space<hbm>>
    %dma_wait3A_183 = arith.constant 49 : i32
    %dma_wait3A_184 = arith.constant 0 : i32
    %dma_wait3A_185 = tpu.memref_slice %arg4[%add3A_179, %dma_wait3A_183, %dma_wait3A_184] : memref<16384x50x128xf32, #tpu.memory_space<hbm>> -> memref<128x1x128xf32, #tpu.memory_space<hbm>>
    tpu.wait_dma2 semaphore(%arg16 : memref<!tpu.dma_semaphore, #tpu.memory_space<semaphore_mem>>) src(%arg8 : memref<128x1x128xf32, #tpu.memory_space<vmem>>) dst(%dma_wait3A_185 : memref<128x1x128xf32, #tpu.memory_space<hbm>>)
    %dma_wait3A_186 = arith.constant 0 : i32
    %dma_wait3A_187 = arith.constant 0 : i32
    %dma_wait3A_188 = arith.constant 0 : i32
    %dma_wait3A_189 = tpu.memref_slice %arg9[%dma_wait3A_187, %dma_wait3A_186, %dma_wait3A_188] : memref<128x1x128xf32, #tpu.memory_space<vmem>> -> memref<128x1x128xf32, #tpu.memory_space<vmem>>
    %dma_wait3A_190 = tpu.memref_squeeze %dma_wait3A_189 : memref<128x1x128xf32, #tpu.memory_space<vmem>> -> memref<128x128xf32, #tpu.memory_space<vmem>>
    %dma_wait3A_191 = arith.constant 0 : i32
    %dma_wait3A_192 = arith.constant 0 : i32
    %dma_wait3A_193 = tpu.memref_slice %arg2[%dma_wait3A_191, %dma_wait3A_192] : memref<1000000x128xf32, #tpu.memory_space<hbm>> -> memref<128x128xf32, #tpu.memory_space<hbm>>
    %dma_wait3A_194 = arith.constant 0 : i32
    %dma_wait3A_195 = arith.constant 0 : i32
    %dma_wait3A_196 = tpu.memref_slice %arg9[%dma_wait3A_194, %dma_wait3A_186, %dma_wait3A_195] : memref<128x1x128xf32, #tpu.memory_space<vmem>> -> memref<128x1x128xf32, #tpu.memory_space<vmem>>
    %dma_wait3A_197 = tpu.memref_squeeze %dma_wait3A_196 : memref<128x1x128xf32, #tpu.memory_space<vmem>> -> memref<128x128xf32, #tpu.memory_space<vmem>>
    %dma_wait3A_198 = arith.constant 0 : i32
    %dma_wait3A_199 = arith.constant 0 : i32
    %dma_wait3A_200 = tpu.memref_slice %arg2[%dma_wait3A_198, %dma_wait3A_199] : memref<1000000x128xf32, #tpu.memory_space<hbm>> -> memref<128x128xf32, #tpu.memory_space<hbm>>
    tpu.wait_dma2 semaphore(%arg13 : memref<!tpu.dma_semaphore, #tpu.memory_space<semaphore_mem>>) src(%dma_wait3A_200 : memref<128x128xf32, #tpu.memory_space<hbm>>) dst(%dma_wait3A_197 : memref<128x128xf32, #tpu.memory_space<vmem>>)
    %rem3A_201 = arith.constant 199 : i32
    %rem3A_202 = arith.constant 4 : i32
    %rem3A_203 = arith.remsi %rem3A_201, %rem3A_202 : i32
    %mul3A_204 = arith.constant 128 : i32
    %mul3A_205 = arith.muli %rem3A_203, %mul3A_204 : i32
    %add3A_206 = arith.addi %mul3A_2, %mul3A_205 : i32
    %dma_start3A_207 = arith.constant 49 : i32
    %dma_start3A_208 = arith.constant 0 : i32
    %dma_start3A_209 = tpu.memref_slice %arg4[%add3A_206, %dma_start3A_207, %dma_start3A_208] : memref<16384x50x128xf32, #tpu.memory_space<hbm>> -> memref<128x1x128xf32, #tpu.memory_space<hbm>>
    %dma_start3A_210 = arith.constant 49 : i32
    %dma_start3A_211 = arith.constant 0 : i32
    %dma_start3A_212 = tpu.memref_slice %arg4[%add3A_206, %dma_start3A_210, %dma_start3A_211] : memref<16384x50x128xf32, #tpu.memory_space<hbm>> -> memref<128x1x128xf32, #tpu.memory_space<hbm>>
    tpu.enqueue_dma source(%arg9 : memref<128x1x128xf32, #tpu.memory_space<vmem>>) target(%dma_start3A_212 : memref<128x1x128xf32, #tpu.memory_space<hbm>>) target_semaphore(%arg17 : memref<!tpu.dma_semaphore, #tpu.memory_space<semaphore_mem>>)
    %rem3A_213 = arith.constant 199 : i32
    %rem3A_214 = arith.constant 4 : i32
    %rem3A_215 = arith.remsi %rem3A_213, %rem3A_214 : i32
    %mul3A_216 = arith.constant 128 : i32
    %mul3A_217 = arith.muli %rem3A_215, %mul3A_216 : i32
    %add3A_218 = arith.addi %mul3A_2, %mul3A_217 : i32
    %dma_wait3A_219 = arith.constant 49 : i32
    %dma_wait3A_220 = arith.constant 0 : i32
    %dma_wait3A_221 = tpu.memref_slice %arg4[%add3A_218, %dma_wait3A_219, %dma_wait3A_220] : memref<16384x50x128xf32, #tpu.memory_space<hbm>> -> memref<128x1x128xf32, #tpu.memory_space<hbm>>
    %dma_wait3A_222 = arith.constant 49 : i32
    %dma_wait3A_223 = arith.constant 0 : i32
    %dma_wait3A_224 = tpu.memref_slice %arg4[%add3A_218, %dma_wait3A_222, %dma_wait3A_223] : memref<16384x50x128xf32, #tpu.memory_space<hbm>> -> memref<128x1x128xf32, #tpu.memory_space<hbm>>
    tpu.wait_dma2 semaphore(%arg17 : memref<!tpu.dma_semaphore, #tpu.memory_space<semaphore_mem>>) src(%arg9 : memref<128x1x128xf32, #tpu.memory_space<vmem>>) dst(%dma_wait3A_224 : memref<128x1x128xf32, #tpu.memory_space<hbm>>)
    return
  }
}

</mosaic_0001>

<sc_bundles>
// kernel: kernel.3.cloned.1.call-start
scs
__scs_entry_jumppad:
0x0: {  	(pc) =	sbr.rel $0x88, $3  }
0x1: {  	(tag) =	ssettag $0x0;
	lr =	simm.s32 $0x1  }
0x2: {  	[smem:$0x3F9F] =	sst lr;
	_ =	strace $0xD0000000  }
0x3: {  	_ = 	snop  }
0x4: {  	_ = 	snop  }
0x5: {  	_ = 	snop  }
0x6: {  	_ = 	snop  }
0x7: {  	_ = 	snop  }
__scs_overlays_trampoline_lowered:
0x8: {  	[smem:$0x3FAE] =	sst s0  }
0x9: {  	[smem:$0x3FAF] =	sst s1  }
0xa: {  	[smem:$0x3FB0] =	sst s2  }
0xb: {  	[smem:$0x3FB1] =	sst s3  }
0xc: {  	[smem:$0x3FB2] =	sst s4  }
0xd: {  	[smem:$0x3FB3] =	sst s5  }
0xe: {  	[smem:$0x3FB4] =	sst s6  }
0xf: {  	[smem:$0x3FB5] =	sst s7  }
0x10: {  	[smem:$0x3FB6] =	sst s8  }
0x11: {  	[smem:$0x3FB7] =	sst s9;
	s0 =	simm.s32 @!p0 $0x0  }
0x12: {  	s1 =	sld [smem:$0x3F9D];
	s0 =	simm.s32 @p0 $0x1  }
0x13: {  	[smem:$0x3FB8] =	sst s0;
	s0 =	simm.s32 @!p1 $0x0  }
0x14: {  	s2 =	sld [smem:$0x3F9C];
	s0 =	simm.s32 @p1 $0x1  }
0x15: {  	[smem:$0x3FB9] =	sst s0;
	s0 =	simm.s32 @!p2 $0x0  }
0x16: {  	s3 =	sld [smem:$0x3FDB];
	s0 =	simm.s32 @p2 $0x1  }
0x17: {  	s4 =	simm.s32 $0x1BF5;
	[smem:$0x3FBB] =	sst s0  }
0x18: {  	s0 =	sld [smem:$0x3F9E];
	_ =	swait.ge [sflag:s4], $0x0  }
0x19: {  	s7 =	sld [smem:$0x3F9F]  }
0x1a: {  	s8 =	sadd.s32 $0xFFFFE003, lr  }
0x1b: {  	s9 =	sadd.s32 $0xFFFFFEF7, lr;
	s5 =	simm.s32 $0xFFFFFFFF;
	p2 =	slt.u32 s8, $0xFFFFF086  }
0x1c: {  	p1 =	slt.u32 s9, $0xF7A;
	s5 =	simm.s32 @!p2 $0x0  }
0x1d: {  	s5 =	simm.s32 @p1 $0x1;
	p0 =	seq.s32 s7, s2  }
0x1e: {  	s7 =	smul.u32 @!p0 $0xF7A, s2;
	p2 =	seq.s32 @!p0 s5, $0x0  }
0x1f: {  	s9 =	smul.u32 $0xF7A, s1;
	s8 =	simm.s32 @!p0 $0x1BF5;
	p2 =	por !p2, p0  }
0x20: {  	[sflag:s8] =	ssyncset.s32 @!p0 $0xFFFFF086;
	s6 =	sadd.s32 @!p0 s3, s7;
	s7 =	simm.s32 @!p0 $0x108  }
0x21: {  	s3 =	sadd.s32 s3, s9;
	s6 =	sadd.s32 @!p0 $0x88, s6;
	s7 =	simm.s32 @p2 $0x1082  }
0x22: {  	[simem:s7], [sflag:s8] =	dma.local @!p0 [hbm:s6], $0xF7A  }
0x23: {  	s9 =	sor.u32 $0xD0000000, s2;
	s6 =	simm.s32 $0x108;
	_ =	swait.ge @!p0 [sflag:s8], $0x0  }
0x24: {  	s3 =	sadd.s32 $0x88, s3;
	s6 =	simm.s32 @!p1 $0x1082;
	[sflag:s4] =	ssyncset.s32 $0xFFFFF086  }
0x25: {  	[simem:s6], [sflag:s4] =	dma.local [hbm:s3], $0xF7A  }
0x26: {  	[smem:$0x3F9F] =	sst s1;
	(tag) =	ssettag s2;
	_ =	strace s9  }
0x27: {  	s1 =	sld [smem:$0x3FAF]  }
0x28: {  	s2 =	sld [smem:$0x3FB0]  }
0x29: {  	s4 =	sld [smem:$0x3FB2]  }
0x2a: {  	p0 =	seq.s32 s5, $0x0;
	s5 =	sld [smem:$0x3FB3]  }
0x2b: {  	s6 =	sld [smem:$0x3FB4]  }
0x2c: {  	s7 =	sld [smem:$0x3FB5]  }
0x2d: {  	s3 =	simm.s32 $0x108;
	s8 =	sld [smem:$0x3FB6]  }
0x2e: {  	s3 =	simm.s32 @!p0 $0x1082;
	s9 =	sld [smem:$0x3FB7]  }
0x2f: {  	lr =	sadd.s32 s0, s3;
	s0 =	sld [smem:$0x3FAE]  }
0x30: {  	s3 =	sld [smem:$0x3FB1]  }
0x31: {  	[smem:$0x3FBA] =	sst s10  }
0x32: {  	s10 =	sld [smem:$0x3FB8];
	_ =	sdelay $0x3  }
0x33: {  	p0 =	seq.s32 s10, $0x1;
	s10 =	sld [smem:$0x3FBA];
	_ =	sdelay $0x3  }
0x34: {  	[smem:$0x3FBA] =	sst s10  }
0x35: {  	s10 =	sld [smem:$0x3FB9];
	_ =	sdelay $0x3  }
0x36: {  	p1 =	seq.s32 s10, $0x1;
	s10 =	sld [smem:$0x3FBA];
	_ =	sdelay $0x3  }
0x37: {  	[smem:$0x3FBA] =	sst s10  }
0x38: {  	s10 =	sld [smem:$0x3FBB]  }
0x39: {  	_ = 	snop;
	(pc) =	sbr.ind lr, $3  }
0x3a: {  	_ = 	snop  }
0x3b: {  	_ = 	snop  }
0x3c: {  	p2 =	seq.s32 s10, $0x1;
	s10 =	sld [smem:$0x3FBA]  }
0x3d: {  	_ =	shalt  }
0x3e: {  	_ =	shalt  }
0x3f: {  	_ =	shalt  }
0x40: {  	_ =	shalt  }
0x41: {  	_ =	shalt  }
0x42: {  	_ =	shalt  }
0x43: {  	_ =	shalt  }
0x44: {  	_ =	shalt  }
0x45: {  	_ =	shalt  }
0x46: {  	_ =	shalt  }
0x47: {  	_ =	shalt  }
0x48: {  	_ =	shalt  }
0x49: {  	_ =	shalt  }
0x4a: {  	_ =	shalt  }
0x4b: {  	_ =	shalt  }
0x4c: {  	_ =	shalt  }
0x4d: {  	_ =	shalt  }
0x4e: {  	_ =	shalt  }
0x4f: {  	_ =	shalt  }
0x50: {  	_ =	shalt  }
0x51: {  	_ =	shalt  }
0x52: {  	_ =	shalt  }
0x53: {  	_ =	shalt  }
0x54: {  	_ =	shalt  }
0x55: {  	_ =	shalt  }
0x56: {  	_ =	shalt  }
0x57: {  	_ =	shalt  }
0x58: {  	_ =	shalt  }
0x59: {  	_ =	shalt  }
0x5a: {  	_ =	shalt  }
0x5b: {  	_ =	shalt  }
0x5c: {  	_ =	shalt  }
0x5d: {  	_ =	shalt  }
0x5e: {  	_ =	shalt  }
0x5f: {  	_ =	shalt  }
0x60: {  	_ =	shalt  }
0x61: {  	_ =	shalt  }
0x62: {  	_ =	shalt  }
0x63: {  	_ =	shalt  }
0x64: {  	_ =	shalt  }
0x65: {  	_ =	shalt  }
0x66: {  	_ =	shalt  }
0x67: {  	_ =	shalt  }
0x68: {  	_ =	shalt  }
0x69: {  	_ =	shalt  }
0x6a: {  	_ =	shalt  }
0x6b: {  	_ =	shalt  }
0x6c: {  	_ =	shalt  }
0x6d: {  	_ =	shalt  }
0x6e: {  	_ =	shalt  }
0x6f: {  	_ =	shalt  }
0x70: {  	_ =	shalt  }
0x71: {  	_ =	shalt  }
0x72: {  	_ =	shalt  }
0x73: {  	_ =	shalt  }
0x74: {  	_ =	shalt  }
0x75: {  	_ =	shalt  }
0x76: {  	_ =	shalt  }
0x77: {  	_ =	shalt  }
0x78: {  	_ =	shalt  }
0x79: {  	_ =	shalt  }
0x7a: {  	_ =	shalt  }
0x7b: {  	_ =	shalt  }
0x7c: {  	_ =	shalt  }
0x7d: {  	_ =	shalt  }
0x7e: {  	_ =	shalt  }
0x7f: {  	_ =	shalt  }
0x80: {  	_ =	shalt  }
0x81: {  	_ =	shalt  }
0x82: {  	_ =	shalt  }
0x83: {  	_ =	shalt  }
0x84: {  	_ =	shalt  }
0x85: {  	_ =	shalt  }
0x86: {  	_ =	shalt  }
0x87: {  	_ =	shalt  }
.Lfunc_end0:
.L_simem_size_0:
called_computation.1_lowered:
.L_overlay_start_0:
0x88: {  	s2 =	sld [smem:$0x3FD9]  }
0x89: {  	s3 =	sld [smem:$0x3FFE];
	_ =	sdelay $0x1  }
0x8a: {  	s1 =	srdreg.scid  }
0x8b: {  	s0 =	sand.u32 $0x1, s1  }
0x8c: {  	s17 =	sshll.u32 s0, $0xA;
	s2 =	sadd.s32 s3, s2  }
0x8d: {  	s2 =	sadd.s32 s2, s17  }
0x8e: {  	[smem:$0x3FC6] =	sst s2  }
0x8f: {  	_ = 	snop  }
0x90: {  	s2 =	sld [smem:$0x3FC9];
	(tm) =	ssettm $0x1  }
0x91: {  	s18 =	sld [smem:$0x3FFB];
	_ =	sdelay $0x3  }
0x92: {  	_ =	strace s18  }
0x93: {  	s3 =	sld [smem:$0x3FFC];
	_ =	sdelay $0x3  }
0x94: {  	_ =	strace s3  }
0x95: {  	s3 =	sld [smem:$0x3FFD];
	_ =	sdelay $0x3  }
0x96: {  	_ =	strace s3  }
0x97: {  	_ =	strace $0x8FFFFFFF  }
0x98: {  	s19 =	sld [smem:$0x3FDB];
	_ =	sdelay $0x1  }
0x99: {  	s4 =	simm.s32 $_scs_section_size  }
0x9a: {  	s5 =	simm.s32 $_size__tile_overlayer_lowered;
	s6 =	simm.s32 $_tile_overlayer_lowered  }
0x9b: {  	s22 =	simm.s32 $0x1BFF;
	s21 =	sshll.u32 s6, $0x1;
	s3 =	sadd.s32 s4, s19  }
0x9c: {  	s7 =	simm.s32 $0x0;
	s20 =	sshll.u32 s5, $0x1;
	s5 =	sadd.s32 s21, s3  }
0x9d: {  	[timem:s7], [sflag:s22] =	dma.local [hbm:s5], s20  }
0x9e: {  	_ =	swait.ge [sflag:s22], s20  }
0x9f: {  	s4 =	ssub.s32 $0x0, s20;
	[sflag:s22] =	ssyncset.done $0x0  }
0xa0: {  	[sflag:s22] =	ssyncadd.s32 s4;
	_ =	sdelay $0x1  }
0xa1: {  	s23 =	simm.s32 $0x1B8B  }
0xa2: {  	_ =	swait.ge [sflag:s23], $0x1  }
0xa3: {  	[sflag:s23] =	ssyncset.done $0x0  }
0xa4: {  	s25 =	simm.s32 $0x1B8E;
	s24 =	sld [smem:$0x3FFE];
	[sflag:s23] =	ssyncadd.s32 $0xFFFFFFFF  }
0xa5: {  	s26 =	simm.s32 $execute0_lowered;
	[smem:$0x3FD2] =	sst s25  }
0xa6: {  	s5 =	sshll.u32 s26, $0x1;
	_ =	strace $0x80000046;
	[dreg:$0x1] =	wrdreg $0xFFFFFFFF  }
0xa7: {  	s28 =	simm.s32 $_size_execute0_lowered;
	s3 =	sadd.s32 s3, s5;
	[dreg:$0x0] =	wrdreg $0x0  }
0xa8: {  	s5 =	sshll.u32 s28, $0x1;
	[dreg:$0x2] =	wrdreg s3  }
0xa9: {  	[dreg:$0x3] =	wrdreg s5  }
0xaa: {  	[dreg:$0x4] =	wrdreg $0xC0  }
0xab: {  	_ =	task [dreg:s7], $0x5FFFF  }
0xac: {  	[dreg:$0x1] =	wrdreg $0xFFFFFFFF  }
0xad: {  	[dreg:$0x0] =	wrdreg $0x60  }
0xae: {  	[dreg:$0x2] =	wrdreg s24  }
0xaf: {  	[dreg:$0x3] =	wrdreg s2  }
0xb0: {  	[dreg:$0x4] =	wrdreg $0x9  }
0xb1: {  	_ =	task.clear_ibuf [dreg:s7], $0x5FFFF;
	_ =	strace $0x90000046  }
0xb2: {  	s29 =	simm.s32 $0x9;
	_ =	strace $0x80000048  }
0xb3: {  	_ =	swait.ge [sflag:s29], $0x1  }
0xb4: {  	[sflag:s29] =	ssyncadd.s32 $0xFFFFFFFF  }
0xb5: {  	_ =	strace $0x90000048  }
0xb6: {  	_ =	sfence  }
0xb7: {  	s30 =	sld [smem:$0x0];
	_ =	sdelay $0x2  }
0xb8: {  	s31 =	sshll.u32 s1, $0xD;
	s1 =	sshrl.u32 s1, $0x2  }
0xb9: {  	s3 =	sand.u32 $0x4000, s31;
	s1 =	sadd.s32 s1, s30  }
0xba: {  	s0 =	sor.u32 s3, s0;
	s1 =	sshll.u32 s1, $0x11  }
0xbb: {  	s0 =	sor.u32 s1, s0  }
0xbc: {  	s0 =	sadd.s32 $0x8F2B, s0  }
0xbd: {  	[sflag:s0] =	ssyncadd.remote.s32 $0x1  }
0xbe: {  	_ =	sfence.sel $0xFFFF  }
0xbf: {  	[dreg:$0x0] =	wrdreg $0xFFFFFFFF;
	(pc) =	sbr.abs _section_cstart, $3  }
0xc0: {  	[dreg:$0x1] =	wrdreg $0xFFFFFFFF  }
0xc1: {  	_ =	task.clear_ibuf [dreg:s7], $0x2FFFF;
	_ =	strace $0x9FFFFFFF  }
0xc2: {  	(tm) =	ssettm $0x7FFFFFFF  }
0xc3: {  	_ =	shalt  }
tec
execute0_lowered:
.L_overlay_start_1:
0x0: {  	(tag) =	ssettag $0x1  }
0x1: {  	s0 =	rddreg [dreg:$0x0]  }
0x2: {  	s1 =	rddreg [dreg:$0x1]  }
0x3: {  	s2 =	simm.s32 $0x0;
	s3 =	srdreg.scid;
	s10 =	stileid.u32  }
0x4: {  	s14 =	simm.s32 $0x9;
	s28 =	simm.s32 $0x6;
	s29 =	simm.s32 $0x3  }
0x5: {  	s30 =	simm.s32 $0x7;
	s31 =	simm.s32 $0x4;
	[smem:$0x7FF] =	sst s2  }
0x6: {  	s6 =	sand.u32 $0x1, s3;
	s15 =	sshll.u32 s10, $0x1;
	s3 =	sadd.s32 $0xF42C00, s0  }
0x7: {  	s4 =	sadd.s32 $0x800, s0;
	s20 =	smul.u32 $0x700000, s10;
	s0 =	simm.s32 $0x8  }
0x8: {  	_ =	strace $0x80000047;
	s7 =	sor.u32 s6, s15;
	s22 =	smul.u32 $0x380000, s6  }
0x9: {  	s5 =	ssub.s32 $0x2, s6;
	s15 =	simm.s32 $0x80;
	s9 =	smul.u32 $0x380000, s7  }
0xa: {  	s8 =	sshrl.u32 s5, $0x1;
	s17 =	sshll.u32 s7, $0x9;
	s7 =	smul.u32 $0x70000, s7  }
0xb: {  	s16 =	ssub.s32 s5, s8;
	s1 =	sadd.s32 s1, s17;
	s26 =	sadd.s32 s22, s20  }
0xc: {  	s20 =	simm.s32 $0xF000;
	s22 =	simm.s32 $0x13000;
	[dreg:$0x6] =	wrdreg s1  }
0xd: {  	s18 =	sadd.s32 $0xE0000, s9;
	s19 =	sadd.s32 $0x1C0000, s9;
	s21 =	sadd.s32 $0x2A0000, s9  }
0xe: {  	s23 =	sadd.s32 s7, s4;
	s24 =	sshrl.u32 s9, $0x3;
	[dreg:$0x3] =	wrdreg s18  }
0xf: {  	s11 =	sshrl.u32 s26, $0x3;
	s10 =	smax.u32 s16, $0x1;
	[dreg:$0x4] =	wrdreg s19  }
0x10: {  	s16 =	simm.s32 $0x7000;
	s26 =	simm.s32 $0x2;
	[dreg:$0x5] =	wrdreg s21  }
0x11: {  	s1 =	sadd.s32 $0x310, s23;
	s25 =	sadd.s32 s4, s24;
	s11 =	sadd.s32 s11, s4  }
0x12: {  	s18 =	simm.s32 $0xB000;
	s23 =	simm.s32 $0x1;
	s24 =	simm.s32 $0x1C00  }
0x13: {  	[dreg:$0x7] =	wrdreg s1;
	s7 =	sadd.s32 $0x1C310, s25;
	s8 =	sadd.s32 $0x38310, s25  }
0x14: {  	s9 =	sadd.s32 $0x54310, s25;
	s25 =	simm.s32 $0x5;
	s1 =	simm.s32 $0x0  }
.LBB2_1:
0x15: {  	s5 =	rddreg [dreg:$0x6];
	s6 =	simm.s32 $0x1000;
	s12 =	simm.s32 $0x20000  }
0x16: {  	[tilespmem:s2], [sflag:$0x9] =	stream.strided.gather [hbm4b:s5+s6], $0x7000, s12, s6, $0x38;
	[tilespmem:$0x17000] =	vst v63  }
0x17: {  	_ =	swait.ge [sflag:s14], $0x7000  }
0x18: {  	[sflag:s14] =	ssyncset.done $0x0  }
0x19: {  	[sflag:s14] =	ssyncadd.s32 $0xFFFF9000  }
0x1a: {  	[tilespmem:s16], [sflag:$0x1] =	stream.indirect.gather [hbm4b:s3+s15], $0x80, s2, s15, $0xb8;
	[tilespmem:$0x17000] =	vst v63  }
0x1b: {  	s17 =	simm.s32 $0x400  }
0x1c: {  	[tilespmem:s18], [sflag:$0x2] =	stream.indirect.gather [hbm4b:s3+s15], $0x80, s17, s15, $0xb8;
	[tilespmem:$0x17000] =	vst v63  }
0x1d: {  	s19 =	simm.s32 $0x800  }
0x1e: {  	[tilespmem:s20], [sflag:$0x3] =	stream.indirect.gather [hbm4b:s3+s15], $0x80, s19, s15, $0xb8;
	[tilespmem:$0x17000] =	vst v63  }
0x1f: {  	s21 =	simm.s32 $0xC00  }
0x20: {  	[tilespmem:s22], [sflag:$0x4] =	stream.indirect.gather [hbm4b:s3+s15], $0x80, s21, s15, $0xb8;
	[tilespmem:$0x17000] =	vst v63  }
0x21: {  	_ =	swait.ge [sflag:s23], $0x4000  }
0x22: {  	[sflag:s23] =	ssyncset.done $0x0  }
0x23: {  	[sflag:s23] =	ssyncadd.s32 $0xFFFFC000  }
0x24: {  	[hbm4b:s11+s15] =	stream.strided.scatter [tilespmem:s16], [sflag:$0x5], $0x4000, s24, s15, $0x38;
	[tilespmem:$0x17000] =	vst v63  }
0x25: {  	s13 =	simm.s32 $0x200;
	s12 =	simm.s32 $0x80;
	_ =	swait.ge [sflag:s25], $0x4000  }
0x26: {  	s13 =	sand.u32 $0xF000, s13;
	s17 =	sand.u32 $0x380, s12;
	[sflag:s25] =	ssyncset.done $0x0  }
0x27: {  	s17 =	sor.u32 s17, s13;
	[sflag:s25] =	ssyncadd.s32 $0xFFFFC000  }
0x28: {  	[tilespmem:s16], [sflag:$0x1] =	stream.indirect.gather [hbm4b:s3+s15], $0x80, s17, s15, $0xb8;
	[tilespmem:$0x17000] =	vst v63  }
0x29: {  	_ =	swait.ge [sflag:s26], $0x4000  }
0x2a: {  	s19 =	sand.u32 $0x1C00, s2;
	s6 =	rddreg [dreg:$0x3]  }
0x2b: {  	s21 =	sand.u32 $0x380, s2;
	s13 =	sor.u32 s6, s19  }
0x2c: {  	s13 =	sor.u32 s21, s13  }
0x2d: {  	[sflag:s26] =	ssyncset.done $0x0;
	s13 =	sshrl.u32 s13, $0x3  }
0x2e: {  	[sflag:s26] =	ssyncadd.s32 $0xFFFFC000;
	s13 =	sadd.s32 s4, s13  }
0x2f: {  	[hbm4b:s13+s15] =	stream.strided.scatter [tilespmem:s18], [sflag:$0x6], $0x4000, s24, s15, $0x38;
	[tilespmem:$0x17000] =	vst v63  }
0x30: {  	_ =	swait.ge [sflag:s28], $0x4000  }
0x31: {  	[sflag:s28] =	ssyncset.done $0x0  }
0x32: {  	s5 =	sor.u32 $0x400, s17;
	[sflag:s28] =	ssyncadd.s32 $0xFFFFC000  }
0x33: {  	[tilespmem:s18], [sflag:$0x2] =	stream.indirect.gather [hbm4b:s3+s15], $0x80, s5, s15, $0xb8;
	[tilespmem:$0x17000] =	vst v63  }
0x34: {  	_ =	swait.ge [sflag:s29], $0x4000  }
0x35: {  	s6 =	rddreg [dreg:$0x4]  }
0x36: {  	s13 =	sor.u32 s6, s19  }
0x37: {  	s13 =	sor.u32 s21, s13  }
0x38: {  	[sflag:s29] =	ssyncset.done $0x0;
	s13 =	sshrl.u32 s13, $0x3  }
0x39: {  	[sflag:s29] =	ssyncadd.s32 $0xFFFFC000;
	s13 =	sadd.s32 s4, s13  }
0x3a: {  	[hbm4b:s13+s15] =	stream.strided.scatter [tilespmem:s20], [sflag:$0x7], $0x4000, s24, s15, $0x38;
	[tilespmem:$0x17000] =	vst v63  }
0x3b: {  	_ =	swait.ge [sflag:s30], $0x4000  }
0x3c: {  	[sflag:s30] =	ssyncset.done $0x0  }
0x3d: {  	s5 =	sor.u32 $0x800, s17;
	[sflag:s30] =	ssyncadd.s32 $0xFFFFC000  }
0x3e: {  	[tilespmem:s20], [sflag:$0x3] =	stream.indirect.gather [hbm4b:s3+s15], $0x80, s5, s15, $0xb8;
	[tilespmem:$0x17000] =	vst v63  }
0x3f: {  	_ =	swait.ge [sflag:s31], $0x4000  }
0x40: {  	s6 =	rddreg [dreg:$0x5]  }
0x41: {  	s13 =	sor.u32 s6, s19  }
0x42: {  	s13 =	sor.u32 s21, s13  }
0x43: {  	[sflag:s31] =	ssyncset.done $0x0;
	s13 =	sshrl.u32 s13, $0x3  }
0x44: {  	[sflag:s31] =	ssyncadd.s32 $0xFFFFC000;
	s13 =	sadd.s32 s4, s13  }
0x45: {  	[hbm4b:s13+s15] =	stream.strided.scatter [tilespmem:s22], [sflag:$0x8], $0x4000, s24, s15, $0x38;
	[tilespmem:$0x17000] =	vst v63  }
0x46: {  	_ =	swait.ge [sflag:s0], $0x4000  }
0x47: {  	s19 =	sor.u32 $0xC00, s17;
	[sflag:s0] =	ssyncset.done $0x0  }
0x48: {  	s17 =	sadd.s32 $0x10, s11;
	s13 =	simm.s32 $0x400;
	[sflag:s0] =	ssyncadd.s32 $0xFFFFC000  }
.LBB2_2:
0x49: {  	[tilespmem:s22], [sflag:$0x4] =	stream.indirect.gather [hbm4b:s3+s15], $0x80, s19, s15, $0xb8;
	[tilespmem:$0x17000] =	vst v63  }
0x4a: {  	_ =	swait.ge [sflag:s23], $0x4000  }
0x4b: {  	[sflag:s23] =	ssyncset.done $0x0  }
0x4c: {  	s21 =	smov.u32 s12;
	[sflag:s23] =	ssyncadd.s32 $0xFFFFC000  }
0x4d: {  	[hbm4b:s17+s15] =	stream.strided.scatter [tilespmem:s16], [sflag:$0x5], $0x4000, s24, s15, $0x38;
	[tilespmem:$0x17000] =	vst v63  }
0x4e: {  	p0 =	sne.s32 s12, $0x1800;
	s12 =	sadd.s32 $0x80, s12;
	_ =	swait.ge [sflag:s25], $0x4000  }
0x4f: {  	s5 =	sand.u32 $0xF000, s13;
	s6 =	sand.u32 $0x380, s12;
	[sflag:s25] =	ssyncset.done $0x0  }
0x50: {  	s19 =	sor.u32 s6, s5;
	[sflag:s25] =	ssyncadd.s32 $0xFFFFC000  }
0x51: {  	[tilespmem:s16], [sflag:$0x1] =	stream.indirect.gather [hbm4b:s3+s15], $0x80, s19, s15, $0xb8;
	[tilespmem:$0x17000] =	vst v63  }
0x52: {  	_ =	swait.ge [sflag:s26], $0x4000  }
0x53: {  	s6 =	sand.u32 $0x1C00, s21;
	s5 =	rddreg [dreg:$0x3]  }
0x54: {  	s21 =	sand.u32 $0x380, s21;
	s5 =	sor.u32 s5, s6  }
0x55: {  	s5 =	sor.u32 s21, s5  }
0x56: {  	[sflag:s26] =	ssyncset.done $0x0;
	s5 =	sshrl.u32 s5, $0x3  }
0x57: {  	[sflag:s26] =	ssyncadd.s32 $0xFFFFC000;
	s5 =	sadd.s32 s4, s5  }
0x58: {  	[hbm4b:s5+s15] =	stream.strided.scatter [tilespmem:s18], [sflag:$0x6], $0x4000, s24, s15, $0x38;
	[tilespmem:$0x17000] =	vst v63  }
0x59: {  	_ =	swait.ge [sflag:s28], $0x4000  }
0x5a: {  	[sflag:s28] =	ssyncset.done $0x0  }
0x5b: {  	s5 =	sor.u32 $0x400, s19;
	[sflag:s28] =	ssyncadd.s32 $0xFFFFC000  }
0x5c: {  	[tilespmem:s18], [sflag:$0x2] =	stream.indirect.gather [hbm4b:s3+s15], $0x80, s5, s15, $0xb8;
	[tilespmem:$0x17000] =	vst v63  }
0x5d: {  	_ =	swait.ge [sflag:s29], $0x4000  }
0x5e: {  	s5 =	rddreg [dreg:$0x4]  }
0x5f: {  	s5 =	sor.u32 s5, s6  }
0x60: {  	s5 =	sor.u32 s21, s5  }
0x61: {  	[sflag:s29] =	ssyncset.done $0x0;
	s5 =	sshrl.u32 s5, $0x3  }
0x62: {  	[sflag:s29] =	ssyncadd.s32 $0xFFFFC000;
	s5 =	sadd.s32 s4, s5  }
0x63: {  	[hbm4b:s5+s15] =	stream.strided.scatter [tilespmem:s20], [sflag:$0x7], $0x4000, s24, s15, $0x38;
	[tilespmem:$0x17000] =	vst v63  }
0x64: {  	_ =	swait.ge [sflag:s30], $0x4000  }
0x65: {  	[sflag:s30] =	ssyncset.done $0x0  }
0x66: {  	s5 =	sor.u32 $0x800, s19;
	[sflag:s30] =	ssyncadd.s32 $0xFFFFC000  }
0x67: {  	[tilespmem:s20], [sflag:$0x3] =	stream.indirect.gather [hbm4b:s3+s15], $0x80, s5, s15, $0xb8;
	[tilespmem:$0x17000] =	vst v63  }
0x68: {  	_ =	swait.ge [sflag:s31], $0x4000  }
0x69: {  	s5 =	rddreg [dreg:$0x5]  }
0x6a: {  	s5 =	sor.u32 s5, s6  }
0x6b: {  	s5 =	sor.u32 s21, s5  }
0x6c: {  	[sflag:s31] =	ssyncset.done $0x0;
	s5 =	sshrl.u32 s5, $0x3  }
.Ltmp0:
0x6d: {  	[sflag:s31] =	ssyncadd.s32 $0xFFFFC000;
	s5 =	sadd.s32 s4, s5;
	(pc) =	sbr.rel @p0 .LBB2_2-.Ltmp0, $4  }
0x6e: {  	[hbm4b:s5+s15] =	stream.strided.scatter [tilespmem:s22], [sflag:$0x8], $0x4000, s24, s15, $0x38;
	[tilespmem:$0x17000] =	vst v63  }
0x6f: {  	_ =	swait.ge [sflag:s0], $0x4000  }
0x70: {  	s13 =	sadd.s32 $0x200, s13;
	[sflag:s0] =	ssyncset.done $0x0  }
0x71: {  	s17 =	sadd.s32 $0x10, s17;
	s19 =	sor.u32 $0xC00, s19;
	[sflag:s0] =	ssyncadd.s32 $0xFFFFC000  }
0x72: {  	[tilespmem:s22], [sflag:$0x4] =	stream.indirect.gather [hbm4b:s3+s15], $0x80, s19, s15, $0xb8;
	[tilespmem:$0x17000] =	vst v63  }
0x73: {  	_ =	swait.ge [sflag:s23], $0x4000  }
0x74: {  	[sflag:s23] =	ssyncset.done $0x0  }
0x75: {  	s5 =	rddreg [dreg:$0x7];
	[sflag:s23] =	ssyncadd.s32 $0xFFFFC000  }
0x76: {  	[hbm4b:s5+s15] =	stream.strided.scatter [tilespmem:s16], [sflag:$0x5], $0x4000, s24, s15, $0x38;
	[tilespmem:$0x17000] =	vst v63  }
0x77: {  	_ =	swait.ge [sflag:s25], $0x4000  }
0x78: {  	[sflag:s25] =	ssyncset.done $0x0  }
0x79: {  	[sflag:s25] =	ssyncadd.s32 $0xFFFFC000  }
0x7a: {  	_ =	swait.ge [sflag:s26], $0x4000  }
0x7b: {  	[sflag:s26] =	ssyncset.done $0x0  }
0x7c: {  	[sflag:s26] =	ssyncadd.s32 $0xFFFFC000  }
0x7d: {  	[hbm4b:s7+s15] =	stream.strided.scatter [tilespmem:s18], [sflag:$0x6], $0x4000, s24, s15, $0x38;
	[tilespmem:$0x17000] =	vst v63  }
0x7e: {  	_ =	swait.ge [sflag:s28], $0x4000  }
0x7f: {  	[sflag:s28] =	ssyncset.done $0x0  }
0x80: {  	[sflag:s28] =	ssyncadd.s32 $0xFFFFC000  }
0x81: {  	_ =	swait.ge [sflag:s29], $0x4000  }
0x82: {  	[sflag:s29] =	ssyncset.done $0x0  }
0x83: {  	[sflag:s29] =	ssyncadd.s32 $0xFFFFC000  }
0x84: {  	[hbm4b:s8+s15] =	stream.strided.scatter [tilespmem:s20], [sflag:$0x7], $0x4000, s24, s15, $0x38;
	[tilespmem:$0x17000] =	vst v63  }
0x85: {  	_ =	swait.ge [sflag:s30], $0x4000  }
0x86: {  	[sflag:s30] =	ssyncset.done $0x0  }
0x87: {  	[sflag:s30] =	ssyncadd.s32 $0xFFFFC000  }
0x88: {  	s1 =	sadd.s32 $0x1, s1;
	_ =	swait.ge [sflag:s31], $0x4000  }
0x89: {  	p0 =	sne.s32 s1, s10;
	[sflag:s31] =	ssyncset.done $0x0  }
.Ltmp1:
0x8a: {  	[sflag:s31] =	ssyncadd.s32 $0xFFFFC000;
	(pc) =	sbr.rel @p0 .LBB2_1-.Ltmp1, $4  }
0x8b: {  	[hbm4b:s9+s15] =	stream.strided.scatter [tilespmem:s22], [sflag:$0x8], $0x4000, s24, s15, $0x38;
	[tilespmem:$0x17000] =	vst v63  }
0x8c: {  	_ =	swait.ge [sflag:s0], $0x4000  }
0x8d: {  	[sflag:s0] =	ssyncset.done $0x0  }
0x8e: {  	[sflag:s0] =	ssyncadd.s32 $0xFFFFC000  }
0x8f: {  	_ =	sfence.sel $0x180000  }
0x90: {  	[bflag:$0x0] =	sbarrier.arrive $0xFFFF  }
0x91: {  	_ =	strace $0x90000047  }
0x92: {  	s0 =	stileid.u32;
	[bflag:$0x2] =	sbarrier.arrive $0xFFFF  }
0x93: {  	p0 =	sne.s32 s0, $0x0;
	s0 =	rddreg [dreg:$0x2]  }
0x94: {  	s0 =	sadd.s32 @!p0 $0x100000, s0  }
0x95: {  	[sflag:s0] =	ssyncadd.tile.s32 @!p0 $0x1;
	_ =	shalt  }
.Lfunc_end2:
_tile_overlayer_lowered:
.L_overlay_start_2:
0x96: {  	(tag) =	ssettag $0x2  }
0x97: {  	s0 =	rddreg [dreg:$0x0];
	s2 =	stileid.u32  }
0x98: {  	s1 =	rddreg [dreg:$0x1];
	p0 =	sne.s32 s2, $0x0  }
0x99: {  	s3 =	rddreg [dreg:$0x2];
	[bflag:$0x3] =	sbarrier.arrive $0xFFFF;
	s2 =	simm.s32 @!p0 $0x1C09  }
0x9a: {  	[timem:s3], [sflag:s2] =	dma.local @!p0 [hbm:s0], s1  }
0x9b: {  	s0 =	simm.s32 @!p0 $0x9  }
0x9c: {  	_ =	swait.ge @!p0 [sflag:s0], s1  }
0x9d: {  	s1 =	ssub.s32 @!p0 $0x0, s1;
	[sflag:s0] =	ssyncset.done @!p0 $0x0  }
0x9e: {  	[sflag:s0] =	ssyncadd.s32 @!p0 s1  }
0x9f: {  	[bflag:$0x3] =	sbarrier.arrive $0xFFFF  }
0xa0: {  	_ =	shalt  }

// kernel: sparse-core-data-format-call.cloned.1.call-start
scs
called_computation_lowered:
.L_overlay_start_0:
0x0: {  	s2 =	sld [smem:$0x3FD9]  }
0x1: {  	s3 =	sld [smem:$0x3FFE];
	_ =	sdelay $0x1  }
0x2: {  	s1 =	srdreg.scid  }
0x3: {  	s0 =	sand.u32 $0x1, s1  }
0x4: {  	s18 =	sshll.u32 s0, $0xA;
	s2 =	sadd.s32 s3, s2  }
0x5: {  	s2 =	sadd.s32 s2, s18  }
0x6: {  	[smem:$0x3FC6] =	sst s2  }
0x7: {  	_ = 	snop  }
0x8: {  	s2 =	sld [smem:$0x3FD0];
	(tm) =	ssettm $0x1  }
0x9: {  	s19 =	sld [smem:$0x3FFB];
	_ =	sdelay $0x3  }
0xa: {  	_ =	strace s19  }
0xb: {  	s3 =	sld [smem:$0x3FFC];
	_ =	sdelay $0x3  }
0xc: {  	_ =	strace s3  }
0xd: {  	s3 =	sld [smem:$0x3FFD];
	_ =	sdelay $0x3  }
0xe: {  	_ =	strace s3  }
0xf: {  	_ =	strace $0x8FFFFFFF  }
0x10: {  	s20 =	sld [smem:$0x3FDB];
	_ =	sdelay $0x1  }
0x11: {  	s4 =	simm.s32 $_scs_section_size  }
0x12: {  	s5 =	simm.s32 $_size__tile_overlayer_lowered;
	s6 =	simm.s32 $_tile_overlayer_lowered  }
0x13: {  	s23 =	simm.s32 $0x1BFF;
	s22 =	sshll.u32 s6, $0x1;
	s3 =	sadd.s32 s4, s20  }
0x14: {  	s7 =	simm.s32 $0x0;
	s21 =	sshll.u32 s5, $0x1;
	s5 =	sadd.s32 s22, s3  }
0x15: {  	[timem:s7], [sflag:s23] =	dma.local [hbm:s5], s21  }
0x16: {  	_ =	swait.ge [sflag:s23], s21  }
0x17: {  	s4 =	ssub.s32 $0x0, s21;
	[sflag:s23] =	ssyncset.done $0x0  }
0x18: {  	[sflag:s23] =	ssyncadd.s32 s4;
	_ =	sdelay $0x1  }
0x19: {  	s24 =	simm.s32 $0x1B8B  }
0x1a: {  	_ =	swait.ge [sflag:s24], $0x1  }
0x1b: {  	[sflag:s24] =	ssyncset.done $0x0  }
0x1c: {  	s26 =	simm.s32 $0x1B8E;
	s25 =	sld [smem:$0x3FFE];
	[sflag:s24] =	ssyncadd.s32 $0xFFFFFFFF  }
0x1d: {  	s27 =	simm.s32 $execute0_lowered;
	[smem:$0x3FD2] =	sst s26  }
0x1e: {  	s5 =	sshll.u32 s27, $0x1;
	_ =	strace $0x80000049;
	[dreg:$0x1] =	wrdreg $0xFFFFFFFF  }
0x1f: {  	s28 =	simm.s32 $_size_execute0_lowered;
	s3 =	sadd.s32 s3, s5;
	[dreg:$0x0] =	wrdreg $0x0  }
0x20: {  	s5 =	sshll.u32 s28, $0x1;
	[dreg:$0x2] =	wrdreg s3  }
0x21: {  	[dreg:$0x3] =	wrdreg s5  }
0x22: {  	[dreg:$0x4] =	wrdreg $0xC0  }
0x23: {  	_ =	task [dreg:s7], $0x5FFFF  }
0x24: {  	[dreg:$0x1] =	wrdreg $0xFFFFFFFF  }
0x25: {  	[dreg:$0x0] =	wrdreg $0x60  }
0x26: {  	[dreg:$0x2] =	wrdreg s25  }
0x27: {  	[dreg:$0x3] =	wrdreg s2  }
0x28: {  	[dreg:$0x4] =	wrdreg $0x9  }
0x29: {  	_ =	task.clear_ibuf [dreg:s7], $0x5FFFF;
	_ =	strace $0x90000049  }
0x2a: {  	s29 =	simm.s32 $0x9;
	_ =	strace $0x8000004B  }
0x2b: {  	_ =	swait.ge [sflag:s29], $0x1  }
0x2c: {  	[sflag:s29] =	ssyncadd.s32 $0xFFFFFFFF  }
0x2d: {  	_ =	strace $0x9000004B  }
0x2e: {  	_ =	sfence  }
0x2f: {  	s30 =	sld [smem:$0x0];
	_ =	sdelay $0x2  }
0x30: {  	s31 =	sshll.u32 s1, $0xD;
	s1 =	sshrl.u32 s1, $0x2  }
0x31: {  	s3 =	sand.u32 $0x4000, s31;
	s1 =	sadd.s32 s1, s30  }
0x32: {  	s0 =	sor.u32 s3, s0;
	s1 =	sshll.u32 s1, $0x11  }
0x33: {  	s0 =	sor.u32 s1, s0  }
0x34: {  	s0 =	sadd.s32 $0x8F2B, s0  }
0x35: {  	[sflag:s0] =	ssyncadd.remote.s32 $0x1  }
0x36: {  	_ =	sfence.sel $0xFFFF  }
0x37: {  	[dreg:$0x0] =	wrdreg $0xFFFFFFFF;
	(pc) =	sbr.abs _section_cstart, $3  }
0x38: {  	[dreg:$0x1] =	wrdreg $0xFFFFFFFF  }
0x39: {  	_ =	task.clear_ibuf [dreg:s7], $0x2FFFF;
	_ =	strace $0x9FFFFFFF  }
0x3a: {  	(tm) =	ssettm $0x7FFFFFFF  }
0x3b: {  	_ =	shalt  }
tec
execute0_lowered:
.L_overlay_start_1:
0x0: {  	(tag) =	ssettag $0x1  }
0x1: {  	s0 =	srdreg.scid  }
0x2: {  	s1 =	sshll.u32 s0, $0x4  }
0x3: {  	s0 =	stileid.u32;
	s1 =	sand.u32 $0x10, s1  }
0x4: {  	s1 =	sor.u32 s0, s1  }
0x5: {  	s6 =	rddreg [dreg:$0x0];
	s4 =	simm.s32 $0x1;
	s2 =	sshll.u32 s1, $0x7  }
0x6: {  	s7 =	simm.s32 $0x2;
	s12 =	simm.s32 $0x0;
	s1 =	ssub.s32 $0x4000, s2  }
0x7: {  	s8 =	simm.s32 $0x20000;
	s13 =	simm.s32 $0x0;
	s3 =	sand.u32 $0xF80, s1  }
0x8: {  	s9 =	simm.s32 $0x0;
	s5 =	sshrl.u32 s1, $0xC;
	p0 =	sne.s32 s3, $0x0  }
.Ltmp0:
0x9: {  	s1 =	rddreg [dreg:$0x2];
	s4 =	simm.s32 @!p0 $0x0;
	(pc) =	sbr.rel .LBB1_1-.Ltmp0, $4  }
0xa: {  	s11 =	simm.s32 $0x0;
	s3 =	rddreg [dreg:$0x1];
	s5 =	sadd.s32 s4, s5  }
0xb: {  	_ =	strace $0x8000004A;
	s4 =	simm.s32 $0x1;
	s5 =	smul.u32 $0x32, s5  }
0xc: {  	s6 =	sadd.s32 $0x800, s6;
	s10 =	smov.u32 s2;
	[sflag:s4] =	ssyncpa.u1 $0x0  }
0xd: {  	p0 =	por $0x0, $0x0;
	[sflag:s7] =	ssyncpa.u1 $0x0;
	s7 =	sor.u32 $0x1, s5  }
.LBB1_4:
0xe: {  	s16 =	sshll.u32 s13, $0x3;
	s17 =	sand.u32 $0x78, s13  }
0xf: {  	s30 =	sand.u32 $0x1F800, s13;
	s12 =	sshll.u32 s12, $0x11;
	s16 =	sand.u32 $0x3C00, s16  }
0x10: {  	[tilespmem:s15+$0x810 ss:$0x81] =	vst.msk $0xffff, v2;
	s31 =	sand.u32 $0x7, s13;
	s16 =	sor.u32 s17, s16;
	s17 =	sadd.s32 s3, s30  }
0x11: {  	[tilespmem:s15+$0x1020 ss:$0x81] =	vst.msk $0xffff, v0;
	s13 =	sshll.u32 s31, $0x12;
	s12 =	sadd.s32 s12, s17;
	s16 =	sshrl.u32 s16, $0x3  }
0x12: {  	[tilespmem:s15+$0x0 ss:$0x81] =	vst.msk $0xffff, v1;
	s13 =	sor.u32 $0x400, s13;
	s12 =	sadd.s32 s16, s12  }
0x13: {  	[hbm4b:s12+s13] =	stream.strided.scatter [tilespmem:s14], [sflag:$0x2], $0x2000, s8, s13, $0x20;
	[tilespmem:$0x8080] =	vst v63  }
.LBB1_5:
0x14: {  	s14 =	sadd.s32 $0x1, s9  }
0x15: {  	s12 =	sadd.s32 $0x1000, s10;
	s16 =	smov.u32 s10;
	p2 =	sgt.s32 s14, $0x31  }
0x16: {  	s16 =	smov.u32 @p2 s12  }
0x17: {  	s14 =	simm.s32 @p2 $0x0;
	p2 =	sgt.s32 s16, $0x3FFF  }
0x18: {  	s16 =	smov.u32 @p2 s2;
	p2 =	sne.s32 s11, s7  }
.Ltmp1:
0x19: {  	p1 =	slt.u32 s11, $0x2;
	(pc) =	sbr.rel @!p2 .LBB1_6-.Ltmp1, $4  }
0x1a: {  	s15 =	simm.s32 @!p1 $0x2  }
0x1b: {  	s13 =	smov.u32 s10;
	p0 =	por !p0, !p0;
	_ =	swait.ge @!p1 [sflag:s15], $0x2000  }
0x1c: {  	s12 =	smov.u32 s9;
	[sflag:s15] =	ssyncset.done @!p1 $0x0;
	s9 =	smov.u32 s14  }
0x1d: {  	s11 =	sadd.s32 $0x1, s11;
	[sflag:s15] =	ssyncadd.s32 @!p1 $0xFFFFE000;
	s10 =	smov.u32 s16  }
.LBB1_1:
0x1e: {  	p1 =	sge.u32 s11, s5  }
0x1f: {  	s14 =	sand.u32 @!p1 $0x1FFFFFF, s9  }
0x20: {  	s15 =	smulhi.u32 @!p1 $0x4924925, s14;
	_ =	sdelay $0x1  }
0x21: {  	s15 =	smul.u32 @!p1 $0x38, s15  }
0x22: {  	s16 =	sxor.u32 @!p1 $0xFFFFFFFF, s11;
	s17 =	smul.u32 @!p1 $0x380, s10  }
0x23: {  	s31 =	sadd.s32 $0xFFFFFFFF, s11;
	s16 =	sshll.u32 @!p1 s16, $0xD;
	s14 =	ssub.s32 @!p1 s14, s15  }
0x24: {  	s15 =	sand.u32 @!p1 $0x2000, s16;
	s16 =	sadd.s32 @!p1 s6, s17;
	s14 =	sshll.u32 @!p1 s14, $0x4  }
0x25: {  	s17 =	simm.s32 @!p1 $0x1C00;
	s14 =	sadd.s32 @!p1 s14, s16;
	s16 =	simm.s32 @!p1 $0x40  }
0x26: {  	[tilespmem:s15], [sflag:$0x1] =	stream.strided.gather @!p1 [hbm4b:s14+s16], $0x2000, s17, s16, $0x38;
	[tilespmem:$0x8080] =	vst v63  }
0x27: {  	p1 =	sge.u32 s31, s5  }
.Ltmp2:
0x28: {  	_ = 	snop;
	(pc) =	sbr.rel @p1 .LBB1_5-.Ltmp2, $1  }
0x29: {  	_ =	sdelay $0x3  }
0x2a: {  	s14 =	simm.s32 $0x1  }
0x2b: {  	_ =	swait.ge [sflag:s4], $0x2000;
	s14 =	simm.s32 @!p0 $0x0  }
0x2c: {  	[sflag:s4] =	ssyncset.done $0x0;
	s15 =	sshll.u32 s14, $0xD  }
0x2d: {  	[sflag:s4] =	ssyncadd.s32 $0xFFFFE000;
	s18 =	sor.u32 $0x20, s15  }
0x2e: {  	s14 =	smul.u32 $0x8100, s14;
	v3 =	vld [tilespmem:s18+$0x10]  }
0x2f: {  	s30 =	sand.u32 $0x1, s11;
	v2 =	vld [tilespmem:s18+$0xFFFFFFF0]  }
0x30: {  	s15 =	smul.u32 $0x8100, s30;
	s14 =	sshrl.u32 s14, $0x2;
	v0 =	vld [tilespmem:s18+$0x0]  }
0x31: {  	v1 =	vld [tilespmem:s18+$0xFFFFFFE0];
	s16 =	sor.u32 $0x4000, s14  }
0x32: {  	s31 =	sshrl.u32 s15, $0x2;
	s15 =	sadd.s32 $0x0, s16  }
0x33: {  	s17 =	simm.s32 $0x4;
	s18 =	sadd.s32 $0x40, s18;
	s14 =	sor.u32 $0x4000, s31;
	[tilespmem:s15+$0x1830 ss:$0x81] =	vst.msk $0xffff, v3  }
.LBB1_3:
0x34: {  	v3 =	vld [tilespmem:s18+$0x10];
	p1 =	sne.s32 s17, $0x1FC;
	[tilespmem:s15+$0x810 ss:$0x81] =	vst.msk $0xffff, v2;
	s19 =	smov.u32 s17;
	s17 =	sadd.s32 $0x4, s17  }
.Ltmp3:
0x35: {  	v2 =	vld [tilespmem:s18+$0xFFFFFFF0];
	[tilespmem:s15+$0x1020 ss:$0x81] =	vst.msk $0xffff, v0;
	(pc) =	sbr.rel @p1 .LBB1_3-.Ltmp3, $4  }
0x36: {  	v0 =	vld [tilespmem:s18+$0x0];
	[tilespmem:s15+$0x0 ss:$0x81] =	vst.msk $0xffff, v1  }
0x37: {  	s15 =	sshra.s32 s19, $0x2;
	v1 =	vld [tilespmem:s18+$0xFFFFFFE0]  }
0x38: {  	s15 =	sadd.s32 s15, s16  }
0x39: {  	s18 =	sadd.s32 $0x40, s18;
	[tilespmem:s15+$0x1830 ss:$0x81] =	vst.msk $0xffff, v3  }
.Ltmp4:
0x3a: {  	_ = 	snop;
	(pc) =	sbr.rel .LBB1_4-.Ltmp4, $1  }
0x3b: {  	_ =	sdelay $0x3  }
.LBB1_6:
0x3c: {  	_ =	sfence.sel $0x180000  }
0x3d: {  	s2 =	simm.s32 $0x1;
	[bflag:$0x0] =	sbarrier.arrive $0xFFFF  }
0x3e: {  	s31 =	simm.s32 $0x2;
	[sflag:s2] =	ssyncpa.u1 $0x1  }
0x3f: {  	[sflag:s31] =	ssyncpa.u1 $0x1  }
0x40: {  	p0 =	sne.s32 s0, $0x0;
	_ =	strace $0x9000004A  }
0x41: {  	s0 =	sadd.s32 @!p0 $0x100000, s1;
	[bflag:$0x2] =	sbarrier.arrive $0xFFFF  }
0x42: {  	[sflag:s0] =	ssyncadd.tile.s32 @!p0 $0x1;
	_ =	shalt  }
.Lfunc_end1:
_tile_overlayer_lowered:
.L_overlay_start_2:
0x43: {  	(tag) =	ssettag $0x2  }
0x44: {  	s0 =	rddreg [dreg:$0x0];
	s2 =	stileid.u32  }
0x45: {  	s1 =	rddreg [dreg:$0x1];
	p0 =	sne.s32 s2, $0x0  }
0x46: {  	s3 =	rddreg [dreg:$0x2];
	[bflag:$0x3] =	sbarrier.arrive $0xFFFF;
	s2 =	simm.s32 @!p0 $0x1C01  }
0x47: {  	[timem:s3], [sflag:s2] =	dma.local @!p0 [hbm:s0], s1  }
0x48: {  	s0 =	simm.s32 @!p0 $0x1  }
0x49: {  	_ =	swait.ge @!p0 [sflag:s0], s1  }
0x4a: {  	s1 =	ssub.s32 @!p0 $0x0, s1;
	[sflag:s0] =	ssyncset.done @!p0 $0x0  }
0x4b: {  	[sflag:s0] =	ssyncadd.s32 @!p0 s1  }
0x4c: {  	[bflag:$0x3] =	sbarrier.arrive $0xFFFF  }
0x4d: {  	_ =	shalt  }

</sc_bundles>
